<compile_context>
chip_gen: v7x
topology: tpu7x:2x2x1
jax: 0.10.2.dev20260603
libtpu: 0.0.44.dev20260713+nightly
codegen_flags: <defaults>
</compile_context>

<pallas_src>
import functools

import jax
import jax.numpy as jnp
from jax import lax
from jax.experimental import pallas as pl
from jax.experimental.pallas import tpu as pltpu
from jax.experimental.pallas import tpu_sc as plsc

_D = 64
_HIST = 50
_L = 16
_CB = 128
_NBUF = 4
_NB = 1024
_TB = 2048
_PB = 16384
_DP = 128


def _sc_geometry():
    try:
        info = plsc.get_sparse_core_info()
        return info.num_cores, info.num_subcores
    except Exception:
        return 2, 16


@functools.lru_cache(maxsize=None)
def _make_pooler(batch):
    nc, ns = _sc_geometry()
    nw = nc * ns
    bw = batch // nw
    nchunk_b = bw // _CB
    nchunk = _HIST * nchunk_b
    mesh = plsc.VectorSubcoreMesh(core_axis_name="c", subcore_axis_name="s")

    @functools.partial(
        pl.kernel,
        mesh=mesh,
        out_type=jax.ShapeDtypeStruct((batch, _DP), jnp.float32),
        scratch_types=[
            pltpu.VMEM((_HIST, bw), jnp.int32),
            pltpu.VMEM((bw, _DP), jnp.float32),
            *[pltpu.SemaphoreType.DMA for _ in range(_NBUF)],
        ],
        compiler_params=pltpu.CompilerParams(use_tc_tiling_on_sc=True),
    )
    def pool(idx_hbm, table_hbm, out_hbm, idx_v, acc_v, *sems):
        w = lax.axis_index("s") * nc + lax.axis_index("c")
        base = w * bw
        pltpu.sync_copy(idx_hbm.at[:, pl.ds(base, bw)], idx_v)

        def idx_ref(c):
            j = c // nchunk_b
            b0 = (c % nchunk_b) * _CB
            return idx_v.at[j, pl.ds(b0, _CB)]

        def acc_ref(c):
            b0 = (c % nchunk_b) * _CB
            return acc_v.at[pl.ds(b0, _CB), :]

        def start(c, b, add=True):
            pltpu.async_copy(table_hbm.at[idx_ref(c)], acc_ref(c), sems[b], add=add)

        def drain(c, b):
            pltpu.make_async_copy(table_hbm.at[idx_ref(c)], acc_ref(c), sems[b]).wait()

        assert _NBUF == nchunk_b
        for b in range(_NBUF):
            start(b, b, add=False)

        def group(gi, carry):
            c0 = gi * _NBUF
            for b in range(_NBUF):
                c = c0 + b
                drain(c, b)

                @pl.when(c + _NBUF < nchunk)
                def _():
                    start(c + _NBUF, b)

            return carry

        lax.fori_loop(0, nchunk // _NBUF, group, 0)
        pltpu.sync_copy(acc_v, out_hbm.at[pl.ds(base, bw), :])

    return pool, nw


def _padtr_kernel(x_ref, o_ref):
    o_ref[:, : _D] = x_ref[...].T


@functools.lru_cache(maxsize=None)
def _make_padtr(n):
    pb = _PB
    return pl.pallas_call(
        _padtr_kernel,
        grid=((n + pb - 1) // pb,),
        in_specs=[pl.BlockSpec((_D, pb), lambda i: (0, i))],
        out_specs=pl.BlockSpec((pb, _DP), lambda i: (i, 0)),
        out_shape=jax.ShapeDtypeStruct((n, _DP), jnp.float32),
    )


def _norm_kernel(x_ref, o_ref):
    x = x_ref[:, : _D]
    nsq = jnp.sum(x * x, axis=1, keepdims=True)
    clamp = jnp.float32((_HIST * 1e-12) ** 2)
    o_ref[...] = (x * lax.rsqrt(jnp.maximum(nsq, clamp))).T


@functools.lru_cache(maxsize=None)
def _make_normalizer(batch):
    return pl.pallas_call(
        _norm_kernel,
        grid=(batch // _NB,),
        in_specs=[pl.BlockSpec((_NB, _DP), lambda i: (i, 0))],
        out_specs=pl.BlockSpec((_D, _NB), lambda i: (0, i)),
        out_shape=jax.ShapeDtypeStruct((_D, batch), jnp.float32),
    )


def kernel(indices, embeddings):
    b, h = indices.shape
    assert h == _HIST and embeddings.shape[1] == _D
    pool, nw = _make_pooler(b)
    idx_t = indices.astype(jnp.int32).T
    table = _make_padtr(embeddings.shape[0])(embeddings.astype(jnp.float32).T)
    sums = pool(idx_t, table)
    return _make_normalizer(b)(sums).T

# --- scband reference (transcript-rebuilt; emitter-appended) ---
"""Pipeline reference for scband-hebbian-language-encoder-20684562498066 (READ-ONLY COPY).

The authoritative reference and input builder live on the scoring server;
editing this copy changes nothing except your own understanding.
"""

import jax, jax.numpy as jnp
import numpy as np

VOCAB = 1000000
EMBED_DIM = 64
BATCH = 16384
HIST = 50

def _l2_normalize(x, axis=-1, eps=1e-12):
    norm = jnp.linalg.norm(x, axis=axis, keepdims=True)
    return x / jnp.maximum(norm, eps)

def setup_inputs(seed: int = 0) -> dict:
    key = jax.random.key(seed)
    k1, k2 = jax.random.split(key)
    indices = jax.random.randint(k1, (BATCH, HIST), 0, VOCAB, dtype=jnp.int64 if jax.config.jax_enable_x64 else jnp.int32)
    embeddings = jax.random.normal(k2, (VOCAB, EMBED_DIM), dtype=jnp.float32) * 0.1
    embeddings = _l2_normalize(embeddings, axis=1)
    return {"indices": indices, "embeddings": embeddings}

def reference(indices, embeddings):
    # Faithful to HebbianLanguageEncoder.forward with pooling='mean':
    # for each sequence, gather word embeddings, mean-pool, then L2-normalize.
    emb = jnp.take(embeddings, indices, axis=0)      # [B, L, D] gather
    pooled = emb.mean(axis=1)                         # [B, D] mean pooling
    out = _l2_normalize(pooled, axis=-1)              # F.normalize(p=2, dim=0)
    return out

if __name__ == "__main__":
    import jax
    _d = setup_inputs()
    print(jax.jit(kernel)(*tuple(_d.values())))

</pallas_src>

<mosaic_0001>
#map = affine_map<(d0, d1) -> (0, 0)>
module attributes {stable_mosaic.version = 14 : i64} {
  func.func @pool(%arg0: i32, %arg1: i32, %arg2: memref<50x16384xi32, #tpu.memory_space<hbm>>, %arg3: memref<1000000x128xf32, #tpu.memory_space<hbm>>, %arg4: memref<16384x128xf32, #tpu.memory_space<hbm>>, %arg5: memref<50x512xi32, #tpu.memory_space<vmem>>, %arg6: memref<512x128xf32, #tpu.memory_space<vmem>>, %arg7: memref<!tpu.dma_semaphore, #tpu.memory_space<semaphore_mem>>, %arg8: memref<!tpu.dma_semaphore, #tpu.memory_space<semaphore_mem>>, %arg9: memref<!tpu.dma_semaphore, #tpu.memory_space<semaphore_mem>>, %arg10: memref<!tpu.dma_semaphore, #tpu.memory_space<semaphore_mem>>) attributes {dimension_semantics = [#tpu.dimension_semantics<core_parallel>, #tpu.dimension_semantics<subcore_parallel>], iteration_bounds = array<i64: 2, 16>, scalar_prefetch = 0 : i64, scratch_operands = 6 : i64, tpu.core_type = #tpu.core_type<sc_vector_subcore>, window_params = [{transform_indices = #map}, {transform_indices = #map}, {transform_indices = #map}]} {
    %mul3A = arith.constant 2 : i32
    %mul3A_0 = arith.muli %arg1, %mul3A : i32
    %add3A = arith.addi %mul3A_0, %arg0 : i32
    %mul3A_1 = arith.constant 512 : i32
    %mul3A_2 = arith.muli %add3A, %mul3A_1 : i32
    "tpu.region"() ({
      %run_scoped3A = tpu.sem_alloc : memref<!tpu.dma_semaphore, #tpu.memory_space<semaphore_mem>>
      %dma_start3A_47 = arith.constant 0 : i32
      %dma_start3A_48 = tpu.memref_slice %arg2[%dma_start3A_47, %mul3A_2] : memref<50x16384xi32, #tpu.memory_space<hbm>> -> memref<50x512xi32, #tpu.memory_space<hbm>>
      %dma_start3A_49 = arith.constant 0 : i32
      %dma_start3A_50 = tpu.memref_slice %arg2[%dma_start3A_49, %mul3A_2] : memref<50x16384xi32, #tpu.memory_space<hbm>> -> memref<50x512xi32, #tpu.memory_space<hbm>>
      tpu.enqueue_dma source(%dma_start3A_50 : memref<50x512xi32, #tpu.memory_space<hbm>>) target(%arg5 : memref<50x512xi32, #tpu.memory_space<vmem>>) target_semaphore(%run_scoped3A : memref<!tpu.dma_semaphore, #tpu.memory_space<semaphore_mem>>)
      %dma_wait3A = arith.constant 0 : i32
      %dma_wait3A_51 = tpu.memref_slice %arg2[%dma_wait3A, %mul3A_2] : memref<50x16384xi32, #tpu.memory_space<hbm>> -> memref<50x512xi32, #tpu.memory_space<hbm>>
      %dma_wait3A_52 = arith.constant 0 : i32
      %dma_wait3A_53 = tpu.memref_slice %arg2[%dma_wait3A_52, %mul3A_2] : memref<50x16384xi32, #tpu.memory_space<hbm>> -> memref<50x512xi32, #tpu.memory_space<hbm>>
      tpu.wait_dma2 semaphore(%run_scoped3A : memref<!tpu.dma_semaphore, #tpu.memory_space<semaphore_mem>>) src(%dma_wait3A_53 : memref<50x512xi32, #tpu.memory_space<hbm>>) dst(%arg5 : memref<50x512xi32, #tpu.memory_space<vmem>>)
      tpu.yield
    }) : () -> ()
    %dma_start3A = arith.constant 0 : i32
    %dma_start3A_3 = arith.constant 0 : i32
    %dma_start3A_4 = arith.constant 0 : i32
    %dma_start3A_5 = tpu.memref_slice %arg6[%dma_start3A_3, %dma_start3A_4] : memref<512x128xf32, #tpu.memory_space<vmem>> -> memref<128x128xf32, #tpu.memory_space<vmem>>
    %dma_start3A_6 = arith.constant 0 : i32
    %dma_start3A_7 = tpu.memref_slice %arg5[%dma_start3A, %dma_start3A_6] : memref<50x512xi32, #tpu.memory_space<vmem>> -> memref<1x128xi32, #tpu.memory_space<vmem>>
    %dma_start3A_8 = tpu.memref_squeeze %dma_start3A_7 : memref<1x128xi32, #tpu.memory_space<vmem>> -> memref<128xi32, #tpu.memory_space<vmem>>
    %dma_start3A_9 = arith.constant 0 : i32
    %dma_start3A_10 = arith.constant 0 : i32
    %dma_start3A_11 = tpu.memref_slice %arg3[%dma_start3A_9, %dma_start3A_10] : memref<1000000x128xf32, #tpu.memory_space<hbm>> -> memref<1000000x128xf32, #tpu.memory_space<hbm>>
    tpu.enqueue_indirect_dma source(%dma_start3A_11 : memref<1000000x128xf32, #tpu.memory_space<hbm>>) target(%dma_start3A_5 : memref<128x128xf32, #tpu.memory_space<vmem>>) offsets(%dma_start3A_8 : memref<128xi32, #tpu.memory_space<vmem>>) semaphore(%arg7 : memref<!tpu.dma_semaphore, #tpu.memory_space<semaphore_mem>>)
    %dma_start3A_12 = arith.constant 0 : i32
    %dma_start3A_13 = arith.constant 128 : i32
    %dma_start3A_14 = arith.constant 0 : i32
    %dma_start3A_15 = tpu.memref_slice %arg6[%dma_start3A_13, %dma_start3A_14] : memref<512x128xf32, #tpu.memory_space<vmem>> -> memref<128x128xf32, #tpu.memory_space<vmem>>
    %dma_start3A_16 = arith.constant 128 : i32
    %dma_start3A_17 = tpu.memref_slice %arg5[%dma_start3A_12, %dma_start3A_16] : memref<50x512xi32, #tpu.memory_space<vmem>> -> memref<1x128xi32, #tpu.memory_space<vmem>>
    %dma_start3A_18 = tpu.memref_squeeze %dma_start3A_17 : memref<1x128xi32, #tpu.memory_space<vmem>> -> memref<128xi32, #tpu.memory_space<vmem>>
    %dma_start3A_19 = arith.constant 0 : i32
    %dma_start3A_20 = arith.constant 0 : i32
    %dma_start3A_21 = tpu.memref_slice %arg3[%dma_start3A_19, %dma_start3A_20] : memref<1000000x128xf32, #tpu.memory_space<hbm>> -> memref<1000000x128xf32, #tpu.memory_space<hbm>>
    tpu.enqueue_indirect_dma source(%dma_start3A_21 : memref<1000000x128xf32, #tpu.memory_space<hbm>>) target(%dma_start3A_15 : memref<128x128xf32, #tpu.memory_space<vmem>>) offsets(%dma_start3A_18 : memref<128xi32, #tpu.memory_space<vmem>>) semaphore(%arg8 : memref<!tpu.dma_semaphore, #tpu.memory_space<semaphore_mem>>)
    %dma_start3A_22 = arith.constant 0 : i32
    %dma_start3A_23 = arith.constant 256 : i32
    %dma_start3A_24 = arith.constant 0 : i32
    %dma_start3A_25 = tpu.memref_slice %arg6[%dma_start3A_23, %dma_start3A_24] : memref<512x128xf32, #tpu.memory_space<vmem>> -> memref<128x128xf32, #tpu.memory_space<vmem>>
    %dma_start3A_26 = arith.constant 256 : i32
    %dma_start3A_27 = tpu.memref_slice %arg5[%dma_start3A_22, %dma_start3A_26] : memref<50x512xi32, #tpu.memory_space<vmem>> -> memref<1x128xi32, #tpu.memory_space<vmem>>
    %dma_start3A_28 = tpu.memref_squeeze %dma_start3A_27 : memref<1x128xi32, #tpu.memory_space<vmem>> -> memref<128xi32, #tpu.memory_space<vmem>>
    %dma_start3A_29 = arith.constant 0 : i32
    %dma_start3A_30 = arith.constant 0 : i32
    %dma_start3A_31 = tpu.memref_slice %arg3[%dma_start3A_29, %dma_start3A_30] : memref<1000000x128xf32, #tpu.memory_space<hbm>> -> memref<1000000x128xf32, #tpu.memory_space<hbm>>
    tpu.enqueue_indirect_dma source(%dma_start3A_31 : memref<1000000x128xf32, #tpu.memory_space<hbm>>) target(%dma_start3A_25 : memref<128x128xf32, #tpu.memory_space<vmem>>) offsets(%dma_start3A_28 : memref<128xi32, #tpu.memory_space<vmem>>) semaphore(%arg9 : memref<!tpu.dma_semaphore, #tpu.memory_space<semaphore_mem>>)
    %dma_start3A_32 = arith.constant 0 : i32
    %dma_start3A_33 = arith.constant 384 : i32
    %dma_start3A_34 = arith.constant 0 : i32
    %dma_start3A_35 = tpu.memref_slice %arg6[%dma_start3A_33, %dma_start3A_34] : memref<512x128xf32, #tpu.memory_space<vmem>> -> memref<128x128xf32, #tpu.memory_space<vmem>>
    %dma_start3A_36 = arith.constant 384 : i32
    %dma_start3A_37 = tpu.memref_slice %arg5[%dma_start3A_32, %dma_start3A_36] : memref<50x512xi32, #tpu.memory_space<vmem>> -> memref<1x128xi32, #tpu.memory_space<vmem>>
    %dma_start3A_38 = tpu.memref_squeeze %dma_start3A_37 : memref<1x128xi32, #tpu.memory_space<vmem>> -> memref<128xi32, #tpu.memory_space<vmem>>
    %dma_start3A_39 = arith.constant 0 : i32
    %dma_start3A_40 = arith.constant 0 : i32
    %dma_start3A_41 = tpu.memref_slice %arg3[%dma_start3A_39, %dma_start3A_40] : memref<1000000x128xf32, #tpu.memory_space<hbm>> -> memref<1000000x128xf32, #tpu.memory_space<hbm>>
    tpu.enqueue_indirect_dma source(%dma_start3A_41 : memref<1000000x128xf32, #tpu.memory_space<hbm>>) target(%dma_start3A_35 : memref<128x128xf32, #tpu.memory_space<vmem>>) offsets(%dma_start3A_38 : memref<128xi32, #tpu.memory_space<vmem>>) semaphore(%arg10 : memref<!tpu.dma_semaphore, #tpu.memory_space<semaphore_mem>>)
    %scan3A = arith.constant 0 : i32
    %scan3A_42 = arith.constant 0 : i32
    %scan3A_43 = arith.constant 50 : i32
    %scan3A_44 = arith.addi %scan3A_42, %scan3A_43 : i32
    %scan3A_45 = arith.constant 1 : i32
    scf.for %scan3A_47 = %scan3A_42 to %scan3A_44 step %scan3A_45  : i32 {
      %mul3A_48 = arith.constant 4 : i32
      %mul3A_49 = arith.muli %scan3A_47, %mul3A_48 : i32
      %add3A_50 = arith.constant 0 : i32
      %add3A_51 = arith.addi %mul3A_49, %add3A_50 : i32
      %jit3A = arith.constant 4 : i32
      %div3A = arith.divsi %add3A_51, %jit3A : i32
      %sign3A = arith.constant 0 : i32
      %sign3A_52 = arith.cmpi sgt, %add3A_51, %sign3A : i32
      %sign3A_53 = arith.extui %sign3A_52 : i1 to i32
      %sign3A_54 = arith.constant 0 : i32
      %sign3A_55 = arith.cmpi slt, %add3A_51, %sign3A_54 : i32
      %sign3A_56 = arith.extui %sign3A_55 : i1 to i32
      %sign3A_57 = arith.subi %sign3A_53, %sign3A_56 : i32
      %sign3A_58 = arith.constant 0 : i32
      %sign3A_59 = arith.cmpi sgt, %jit3A, %sign3A_58 : i32
      %sign3A_60 = arith.extui %sign3A_59 : i1 to i32
      %sign3A_61 = arith.constant 0 : i32
      %sign3A_62 = arith.cmpi slt, %jit3A, %sign3A_61 : i32
      %sign3A_63 = arith.extui %sign3A_62 : i1 to i32
      %sign3A_64 = arith.subi %sign3A_60, %sign3A_63 : i32
      %ne3A = arith.cmpi ne, %sign3A_57, %sign3A_64 : i32
      %rem3A = arith.remsi %add3A_51, %jit3A : i32
      %ne3A_65 = arith.constant 0 : i32
      %ne3A_66 = arith.cmpi ne, %rem3A, %ne3A_65 : i32
      %and3A = arith.andi %ne3A, %ne3A_66 : i1
      %sub3A = arith.constant 1 : i32
      %sub3A_67 = arith.subi %div3A, %sub3A : i32
      %select_n3A = arith.select %and3A, %sub3A_67, %div3A : i32
      %jit3A_68 = arith.constant 4 : i32
      %eq3A = arith.constant 0 : i32
      %eq3A_69 = arith.cmpi eq, %jit3A_68, %eq3A : i32
      %jit3A_70 = arith.constant 1 : i32
      %select_n3A_71 = arith.select %eq3A_69, %jit3A_70, %jit3A_68 : i32
      %rem3A_72 = arith.remsi %add3A_51, %select_n3A_71 : i32
      %ne3A_73 = arith.constant 0 : i32
      %ne3A_74 = arith.cmpi ne, %rem3A_72, %ne3A_73 : i32
      %lt3A = arith.constant 0 : i32
      %lt3A_75 = arith.cmpi slt, %rem3A_72, %lt3A : i32
      %lt3A_76 = arith.constant 0 : i32
      %lt3A_77 = arith.cmpi slt, %select_n3A_71, %lt3A_76 : i32
      %ne3A_78 = arith.xori %lt3A_75, %lt3A_77 : i1
      %and3A_79 = arith.andi %ne3A_78, %ne3A_74 : i1
      %add3A_80 = arith.addi %rem3A_72, %select_n3A_71 : i32
      %select_n3A_81 = arith.select %and3A_79, %add3A_80, %rem3A_72 : i32
      %mul3A_82 = arith.constant 128 : i32
      %mul3A_83 = arith.muli %select_n3A_81, %mul3A_82 : i32
      %jit3A_84 = arith.constant 4 : i32
      %eq3A_85 = arith.constant 0 : i32
      %eq3A_86 = arith.cmpi eq, %jit3A_84, %eq3A_85 : i32
      %jit3A_87 = arith.constant 1 : i32
      %select_n3A_88 = arith.select %eq3A_86, %jit3A_87, %jit3A_84 : i32
      %rem3A_89 = arith.remsi %add3A_51, %select_n3A_88 : i32
      %ne3A_90 = arith.constant 0 : i32
      %ne3A_91 = arith.cmpi ne, %rem3A_89, %ne3A_90 : i32
      %lt3A_92 = arith.constant 0 : i32
      %lt3A_93 = arith.cmpi slt, %rem3A_89, %lt3A_92 : i32
      %lt3A_94 = arith.constant 0 : i32
      %lt3A_95 = arith.cmpi slt, %select_n3A_88, %lt3A_94 : i32
      %ne3A_96 = arith.xori %lt3A_93, %lt3A_95 : i1
      %and3A_97 = arith.andi %ne3A_96, %ne3A_91 : i1
      %add3A_98 = arith.addi %rem3A_89, %select_n3A_88 : i32
      %select_n3A_99 = arith.select %and3A_97, %add3A_98, %rem3A_89 : i32
      %mul3A_100 = arith.constant 128 : i32
      %mul3A_101 = arith.muli %select_n3A_99, %mul3A_100 : i32
      %dma_wait3A = arith.constant 0 : i32
      %dma_wait3A_102 = tpu.memref_slice %arg6[%mul3A_101, %dma_wait3A] : memref<512x128xf32, #tpu.memory_space<vmem>> -> memref<128x128xf32, #tpu.memory_space<vmem>>
      %dma_wait3A_103 = tpu.memref_slice %arg5[%select_n3A, %mul3A_83] : memref<50x512xi32, #tpu.memory_space<vmem>> -> memref<1x128xi32, #tpu.memory_space<vmem>>
      %dma_wait3A_104 = tpu.memref_squeeze %dma_wait3A_103 : memref<1x128xi32, #tpu.memory_space<vmem>> -> memref<128xi32, #tpu.memory_space<vmem>>
      %dma_wait3A_105 = arith.constant 0 : i32
      %dma_wait3A_106 = arith.constant 0 : i32
      %dma_wait3A_107 = tpu.memref_slice %arg3[%dma_wait3A_105, %dma_wait3A_106] : memref<1000000x128xf32, #tpu.memory_space<hbm>> -> memref<1000000x128xf32, #tpu.memory_space<hbm>>
      tpu.wait_indirect_dma semaphore(%arg7 : memref<!tpu.dma_semaphore, #tpu.memory_space<semaphore_mem>>) src(%dma_wait3A_107 : memref<1000000x128xf32, #tpu.memory_space<hbm>>) dst(%dma_wait3A_102 : memref<128x128xf32, #tpu.memory_space<vmem>>)
      %add3A_108 = arith.constant 4 : i32
      %add3A_109 = arith.addi %add3A_51, %add3A_108 : i32
      %lt3A_110 = arith.constant 200 : i32
      %lt3A_111 = arith.cmpi slt, %add3A_109, %lt3A_110 : i32
      %convert_element_type3A = arith.extui %lt3A_111 : i1 to i32
      %cond3A = arith.constant 0 : i32
      %cond3A_112 = arith.cmpi ne, %convert_element_type3A, %cond3A : i32
      scf.if %cond3A_112 {
        %add3A_341 = arith.constant 4 : i32
        %add3A_342 = arith.addi %add3A_51, %add3A_341 : i32
        %jit3A_343 = arith.constant 4 : i32
        %div3A_344 = arith.divsi %add3A_342, %jit3A_343 : i32
        %sign3A_345 = arith.constant 0 : i32
        %sign3A_346 = arith.cmpi sgt, %add3A_342, %sign3A_345 : i32
        %sign3A_347 = arith.extui %sign3A_346 : i1 to i32
        %sign3A_348 = arith.constant 0 : i32
        %sign3A_349 = arith.cmpi slt, %add3A_342, %sign3A_348 : i32
        %sign3A_350 = arith.extui %sign3A_349 : i1 to i32
        %sign3A_351 = arith.subi %sign3A_347, %sign3A_350 : i32
        %sign3A_352 = arith.constant 0 : i32
        %sign3A_353 = arith.cmpi sgt, %jit3A_343, %sign3A_352 : i32
        %sign3A_354 = arith.extui %sign3A_353 : i1 to i32
        %sign3A_355 = arith.constant 0 : i32
        %sign3A_356 = arith.cmpi slt, %jit3A_343, %sign3A_355 : i32
        %sign3A_357 = arith.extui %sign3A_356 : i1 to i32
        %sign3A_358 = arith.subi %sign3A_354, %sign3A_357 : i32
        %ne3A_359 = arith.cmpi ne, %sign3A_351, %sign3A_358 : i32
        %rem3A_360 = arith.remsi %add3A_342, %jit3A_343 : i32
        %ne3A_361 = arith.constant 0 : i32
        %ne3A_362 = arith.cmpi ne, %rem3A_360, %ne3A_361 : i32
        %and3A_363 = arith.andi %ne3A_359, %ne3A_362 : i1
        %sub3A_364 = arith.constant 1 : i32
        %sub3A_365 = arith.subi %div3A_344, %sub3A_364 : i32
        %select_n3A_366 = arith.select %and3A_363, %sub3A_365, %div3A_344 : i32
        %jit3A_367 = arith.constant 4 : i32
        %eq3A_368 = arith.constant 0 : i32
        %eq3A_369 = arith.cmpi eq, %jit3A_367, %eq3A_368 : i32
        %jit3A_370 = arith.constant 1 : i32
        %select_n3A_371 = arith.select %eq3A_369, %jit3A_370, %jit3A_367 : i32
        %rem3A_372 = arith.remsi %add3A_342, %select_n3A_371 : i32
        %ne3A_373 = arith.constant 0 : i32
        %ne3A_374 = arith.cmpi ne, %rem3A_372, %ne3A_373 : i32
        %lt3A_375 = arith.constant 0 : i32
        %lt3A_376 = arith.cmpi slt, %rem3A_372, %lt3A_375 : i32
        %lt3A_377 = arith.constant 0 : i32
        %lt3A_378 = arith.cmpi slt, %select_n3A_371, %lt3A_377 : i32
        %ne3A_379 = arith.xori %lt3A_376, %lt3A_378 : i1
        %and3A_380 = arith.andi %ne3A_379, %ne3A_374 : i1
        %add3A_381 = arith.addi %rem3A_372, %select_n3A_371 : i32
        %select_n3A_382 = arith.select %and3A_380, %add3A_381, %rem3A_372 : i32
        %mul3A_383 = arith.constant 128 : i32
        %mul3A_384 = arith.muli %select_n3A_382, %mul3A_383 : i32
        %jit3A_385 = arith.constant 4 : i32
        %eq3A_386 = arith.constant 0 : i32
        %eq3A_387 = arith.cmpi eq, %jit3A_385, %eq3A_386 : i32
        %jit3A_388 = arith.constant 1 : i32
        %select_n3A_389 = arith.select %eq3A_387, %jit3A_388, %jit3A_385 : i32
        %rem3A_390 = arith.remsi %add3A_342, %select_n3A_389 : i32
        %ne3A_391 = arith.constant 0 : i32
        %ne3A_392 = arith.cmpi ne, %rem3A_390, %ne3A_391 : i32
        %lt3A_393 = arith.constant 0 : i32
        %lt3A_394 = arith.cmpi slt, %rem3A_390, %lt3A_393 : i32
        %lt3A_395 = arith.constant 0 : i32
        %lt3A_396 = arith.cmpi slt, %select_n3A_389, %lt3A_395 : i32
        %ne3A_397 = arith.xori %lt3A_394, %lt3A_396 : i1
        %and3A_398 = arith.andi %ne3A_397, %ne3A_392 : i1
        %add3A_399 = arith.addi %rem3A_390, %select_n3A_389 : i32
        %select_n3A_400 = arith.select %and3A_398, %add3A_399, %rem3A_390 : i32
        %mul3A_401 = arith.constant 128 : i32
        %mul3A_402 = arith.muli %select_n3A_400, %mul3A_401 : i32
        %dma_start3A_403 = arith.constant 0 : i32
        %dma_start3A_404 = tpu.memref_slice %arg6[%mul3A_402, %dma_start3A_403] : memref<512x128xf32, #tpu.memory_space<vmem>> -> memref<128x128xf32, #tpu.memory_space<vmem>>
        %dma_start3A_405 = tpu.memref_slice %arg5[%select_n3A_366, %mul3A_384] : memref<50x512xi32, #tpu.memory_space<vmem>> -> memref<1x128xi32, #tpu.memory_space<vmem>>
        %dma_start3A_406 = tpu.memref_squeeze %dma_start3A_405 : memref<1x128xi32, #tpu.memory_space<vmem>> -> memref<128xi32, #tpu.memory_space<vmem>>
        %dma_start3A_407 = arith.constant 0 : i32
        %dma_start3A_408 = arith.constant 0 : i32
        %dma_start3A_409 = tpu.memref_slice %arg3[%dma_start3A_407, %dma_start3A_408] : memref<1000000x128xf32, #tpu.memory_space<hbm>> -> memref<1000000x128xf32, #tpu.memory_space<hbm>>
        tpu.enqueue_indirect_dma source(%dma_start3A_409 : memref<1000000x128xf32, #tpu.memory_space<hbm>>) target(%dma_start3A_404 : memref<128x128xf32, #tpu.memory_space<vmem>>) offsets(%dma_start3A_406 : memref<128xi32, #tpu.memory_space<vmem>>) semaphore(%arg7 : memref<!tpu.dma_semaphore, #tpu.memory_space<semaphore_mem>>) {add = true}
      } else {
      }
      %add3A_113 = arith.constant 1 : i32
      %add3A_114 = arith.addi %mul3A_49, %add3A_113 : i32
      %jit3A_115 = arith.constant 4 : i32
      %div3A_116 = arith.divsi %add3A_114, %jit3A_115 : i32
      %sign3A_117 = arith.constant 0 : i32
      %sign3A_118 = arith.cmpi sgt, %add3A_114, %sign3A_117 : i32
      %sign3A_119 = arith.extui %sign3A_118 : i1 to i32
      %sign3A_120 = arith.constant 0 : i32
      %sign3A_121 = arith.cmpi slt, %add3A_114, %sign3A_120 : i32
      %sign3A_122 = arith.extui %sign3A_121 : i1 to i32
      %sign3A_123 = arith.subi %sign3A_119, %sign3A_122 : i32
      %sign3A_124 = arith.constant 0 : i32
      %sign3A_125 = arith.cmpi sgt, %jit3A_115, %sign3A_124 : i32
      %sign3A_126 = arith.extui %sign3A_125 : i1 to i32
      %sign3A_127 = arith.constant 0 : i32
      %sign3A_128 = arith.cmpi slt, %jit3A_115, %sign3A_127 : i32
      %sign3A_129 = arith.extui %sign3A_128 : i1 to i32
      %sign3A_130 = arith.subi %sign3A_126, %sign3A_129 : i32
      %ne3A_131 = arith.cmpi ne, %sign3A_123, %sign3A_130 : i32
      %rem3A_132 = arith.remsi %add3A_114, %jit3A_115 : i32
      %ne3A_133 = arith.constant 0 : i32
      %ne3A_134 = arith.cmpi ne, %rem3A_132, %ne3A_133 : i32
      %and3A_135 = arith.andi %ne3A_131, %ne3A_134 : i1
      %sub3A_136 = arith.constant 1 : i32
      %sub3A_137 = arith.subi %div3A_116, %sub3A_136 : i32
      %select_n3A_138 = arith.select %and3A_135, %sub3A_137, %div3A_116 : i32
      %jit3A_139 = arith.constant 4 : i32
      %eq3A_140 = arith.constant 0 : i32
      %eq3A_141 = arith.cmpi eq, %jit3A_139, %eq3A_140 : i32
      %jit3A_142 = arith.constant 1 : i32
      %select_n3A_143 = arith.select %eq3A_141, %jit3A_142, %jit3A_139 : i32
      %rem3A_144 = arith.remsi %add3A_114, %select_n3A_143 : i32
      %ne3A_145 = arith.constant 0 : i32
      %ne3A_146 = arith.cmpi ne, %rem3A_144, %ne3A_145 : i32
      %lt3A_147 = arith.constant 0 : i32
      %lt3A_148 = arith.cmpi slt, %rem3A_144, %lt3A_147 : i32
      %lt3A_149 = arith.constant 0 : i32
      %lt3A_150 = arith.cmpi slt, %select_n3A_143, %lt3A_149 : i32
      %ne3A_151 = arith.xori %lt3A_148, %lt3A_150 : i1
      %and3A_152 = arith.andi %ne3A_151, %ne3A_146 : i1
      %add3A_153 = arith.addi %rem3A_144, %select_n3A_143 : i32
      %select_n3A_154 = arith.select %and3A_152, %add3A_153, %rem3A_144 : i32
      %mul3A_155 = arith.constant 128 : i32
      %mul3A_156 = arith.muli %select_n3A_154, %mul3A_155 : i32
      %jit3A_157 = arith.constant 4 : i32
      %eq3A_158 = arith.constant 0 : i32
      %eq3A_159 = arith.cmpi eq, %jit3A_157, %eq3A_158 : i32
      %jit3A_160 = arith.constant 1 : i32
      %select_n3A_161 = arith.select %eq3A_159, %jit3A_160, %jit3A_157 : i32
      %rem3A_162 = arith.remsi %add3A_114, %select_n3A_161 : i32
      %ne3A_163 = arith.constant 0 : i32
      %ne3A_164 = arith.cmpi ne, %rem3A_162, %ne3A_163 : i32
      %lt3A_165 = arith.constant 0 : i32
      %lt3A_166 = arith.cmpi slt, %rem3A_162, %lt3A_165 : i32
      %lt3A_167 = arith.constant 0 : i32
      %lt3A_168 = arith.cmpi slt, %select_n3A_161, %lt3A_167 : i32
      %ne3A_169 = arith.xori %lt3A_166, %lt3A_168 : i1
      %and3A_170 = arith.andi %ne3A_169, %ne3A_164 : i1
      %add3A_171 = arith.addi %rem3A_162, %select_n3A_161 : i32
      %select_n3A_172 = arith.select %and3A_170, %add3A_171, %rem3A_162 : i32
      %mul3A_173 = arith.constant 128 : i32
      %mul3A_174 = arith.muli %select_n3A_172, %mul3A_173 : i32
      %dma_wait3A_175 = arith.constant 0 : i32
      %dma_wait3A_176 = tpu.memref_slice %arg6[%mul3A_174, %dma_wait3A_175] : memref<512x128xf32, #tpu.memory_space<vmem>> -> memref<128x128xf32, #tpu.memory_space<vmem>>
      %dma_wait3A_177 = tpu.memref_slice %arg5[%select_n3A_138, %mul3A_156] : memref<50x512xi32, #tpu.memory_space<vmem>> -> memref<1x128xi32, #tpu.memory_space<vmem>>
      %dma_wait3A_178 = tpu.memref_squeeze %dma_wait3A_177 : memref<1x128xi32, #tpu.memory_space<vmem>> -> memref<128xi32, #tpu.memory_space<vmem>>
      %dma_wait3A_179 = arith.constant 0 : i32
      %dma_wait3A_180 = arith.constant 0 : i32
      %dma_wait3A_181 = tpu.memref_slice %arg3[%dma_wait3A_179, %dma_wait3A_180] : memref<1000000x128xf32, #tpu.memory_space<hbm>> -> memref<1000000x128xf32, #tpu.memory_space<hbm>>
      tpu.wait_indirect_dma semaphore(%arg8 : memref<!tpu.dma_semaphore, #tpu.memory_space<semaphore_mem>>) src(%dma_wait3A_181 : memref<1000000x128xf32, #tpu.memory_space<hbm>>) dst(%dma_wait3A_176 : memref<128x128xf32, #tpu.memory_space<vmem>>)
      %add3A_182 = arith.constant 4 : i32
      %add3A_183 = arith.addi %add3A_114, %add3A_182 : i32
      %lt3A_184 = arith.constant 200 : i32
      %lt3A_185 = arith.cmpi slt, %add3A_183, %lt3A_184 : i32
      %convert_element_type3A_186 = arith.extui %lt3A_185 : i1 to i32
      %cond3A_187 = arith.constant 0 : i32
      %cond3A_188 = arith.cmpi ne, %convert_element_type3A_186, %cond3A_187 : i32
      scf.if %cond3A_188 {
        %add3A_341 = arith.constant 4 : i32
        %add3A_342 = arith.addi %add3A_114, %add3A_341 : i32
        %jit3A_343 = arith.constant 4 : i32
        %div3A_344 = arith.divsi %add3A_342, %jit3A_343 : i32
        %sign3A_345 = arith.constant 0 : i32
        %sign3A_346 = arith.cmpi sgt, %add3A_342, %sign3A_345 : i32
        %sign3A_347 = arith.extui %sign3A_346 : i1 to i32
        %sign3A_348 = arith.constant 0 : i32
        %sign3A_349 = arith.cmpi slt, %add3A_342, %sign3A_348 : i32
        %sign3A_350 = arith.extui %sign3A_349 : i1 to i32
        %sign3A_351 = arith.subi %sign3A_347, %sign3A_350 : i32
        %sign3A_352 = arith.constant 0 : i32
        %sign3A_353 = arith.cmpi sgt, %jit3A_343, %sign3A_352 : i32
        %sign3A_354 = arith.extui %sign3A_353 : i1 to i32
        %sign3A_355 = arith.constant 0 : i32
        %sign3A_356 = arith.cmpi slt, %jit3A_343, %sign3A_355 : i32
        %sign3A_357 = arith.extui %sign3A_356 : i1 to i32
        %sign3A_358 = arith.subi %sign3A_354, %sign3A_357 : i32
        %ne3A_359 = arith.cmpi ne, %sign3A_351, %sign3A_358 : i32
        %rem3A_360 = arith.remsi %add3A_342, %jit3A_343 : i32
        %ne3A_361 = arith.constant 0 : i32
        %ne3A_362 = arith.cmpi ne, %rem3A_360, %ne3A_361 : i32
        %and3A_363 = arith.andi %ne3A_359, %ne3A_362 : i1
        %sub3A_364 = arith.constant 1 : i32
        %sub3A_365 = arith.subi %div3A_344, %sub3A_364 : i32
        %select_n3A_366 = arith.select %and3A_363, %sub3A_365, %div3A_344 : i32
        %jit3A_367 = arith.constant 4 : i32
        %eq3A_368 = arith.constant 0 : i32
        %eq3A_369 = arith.cmpi eq, %jit3A_367, %eq3A_368 : i32
        %jit3A_370 = arith.constant 1 : i32
        %select_n3A_371 = arith.select %eq3A_369, %jit3A_370, %jit3A_367 : i32
        %rem3A_372 = arith.remsi %add3A_342, %select_n3A_371 : i32
        %ne3A_373 = arith.constant 0 : i32
        %ne3A_374 = arith.cmpi ne, %rem3A_372, %ne3A_373 : i32
        %lt3A_375 = arith.constant 0 : i32
        %lt3A_376 = arith.cmpi slt, %rem3A_372, %lt3A_375 : i32
        %lt3A_377 = arith.constant 0 : i32
        %lt3A_378 = arith.cmpi slt, %select_n3A_371, %lt3A_377 : i32
        %ne3A_379 = arith.xori %lt3A_376, %lt3A_378 : i1
        %and3A_380 = arith.andi %ne3A_379, %ne3A_374 : i1
        %add3A_381 = arith.addi %rem3A_372, %select_n3A_371 : i32
        %select_n3A_382 = arith.select %and3A_380, %add3A_381, %rem3A_372 : i32
        %mul3A_383 = arith.constant 128 : i32
        %mul3A_384 = arith.muli %select_n3A_382, %mul3A_383 : i32
        %jit3A_385 = arith.constant 4 : i32
        %eq3A_386 = arith.constant 0 : i32
        %eq3A_387 = arith.cmpi eq, %jit3A_385, %eq3A_386 : i32
        %jit3A_388 = arith.constant 1 : i32
        %select_n3A_389 = arith.select %eq3A_387, %jit3A_388, %jit3A_385 : i32
        %rem3A_390 = arith.remsi %add3A_342, %select_n3A_389 : i32
        %ne3A_391 = arith.constant 0 : i32
        %ne3A_392 = arith.cmpi ne, %rem3A_390, %ne3A_391 : i32
        %lt3A_393 = arith.constant 0 : i32
        %lt3A_394 = arith.cmpi slt, %rem3A_390, %lt3A_393 : i32
        %lt3A_395 = arith.constant 0 : i32
        %lt3A_396 = arith.cmpi slt, %select_n3A_389, %lt3A_395 : i32
        %ne3A_397 = arith.xori %lt3A_394, %lt3A_396 : i1
        %and3A_398 = arith.andi %ne3A_397, %ne3A_392 : i1
        %add3A_399 = arith.addi %rem3A_390, %select_n3A_389 : i32
        %select_n3A_400 = arith.select %and3A_398, %add3A_399, %rem3A_390 : i32
        %mul3A_401 = arith.constant 128 : i32
        %mul3A_402 = arith.muli %select_n3A_400, %mul3A_401 : i32
        %dma_start3A_403 = arith.constant 0 : i32
        %dma_start3A_404 = tpu.memref_slice %arg6[%mul3A_402, %dma_start3A_403] : memref<512x128xf32, #tpu.memory_space<vmem>> -> memref<128x128xf32, #tpu.memory_space<vmem>>
        %dma_start3A_405 = tpu.memref_slice %arg5[%select_n3A_366, %mul3A_384] : memref<50x512xi32, #tpu.memory_space<vmem>> -> memref<1x128xi32, #tpu.memory_space<vmem>>
        %dma_start3A_406 = tpu.memref_squeeze %dma_start3A_405 : memref<1x128xi32, #tpu.memory_space<vmem>> -> memref<128xi32, #tpu.memory_space<vmem>>
        %dma_start3A_407 = arith.constant 0 : i32
        %dma_start3A_408 = arith.constant 0 : i32
        %dma_start3A_409 = tpu.memref_slice %arg3[%dma_start3A_407, %dma_start3A_408] : memref<1000000x128xf32, #tpu.memory_space<hbm>> -> memref<1000000x128xf32, #tpu.memory_space<hbm>>
        tpu.enqueue_indirect_dma source(%dma_start3A_409 : memref<1000000x128xf32, #tpu.memory_space<hbm>>) target(%dma_start3A_404 : memref<128x128xf32, #tpu.memory_space<vmem>>) offsets(%dma_start3A_406 : memref<128xi32, #tpu.memory_space<vmem>>) semaphore(%arg8 : memref<!tpu.dma_semaphore, #tpu.memory_space<semaphore_mem>>) {add = true}
      } else {
      }
      %add3A_189 = arith.constant 2 : i32
      %add3A_190 = arith.addi %mul3A_49, %add3A_189 : i32
      %jit3A_191 = arith.constant 4 : i32
      %div3A_192 = arith.divsi %add3A_190, %jit3A_191 : i32
      %sign3A_193 = arith.constant 0 : i32
      %sign3A_194 = arith.cmpi sgt, %add3A_190, %sign3A_193 : i32
      %sign3A_195 = arith.extui %sign3A_194 : i1 to i32
      %sign3A_196 = arith.constant 0 : i32
      %sign3A_197 = arith.cmpi slt, %add3A_190, %sign3A_196 : i32
      %sign3A_198 = arith.extui %sign3A_197 : i1 to i32
      %sign3A_199 = arith.subi %sign3A_195, %sign3A_198 : i32
      %sign3A_200 = arith.constant 0 : i32
      %sign3A_201 = arith.cmpi sgt, %jit3A_191, %sign3A_200 : i32
      %sign3A_202 = arith.extui %sign3A_201 : i1 to i32
      %sign3A_203 = arith.constant 0 : i32
      %sign3A_204 = arith.cmpi slt, %jit3A_191, %sign3A_203 : i32
      %sign3A_205 = arith.extui %sign3A_204 : i1 to i32
      %sign3A_206 = arith.subi %sign3A_202, %sign3A_205 : i32
      %ne3A_207 = arith.cmpi ne, %sign3A_199, %sign3A_206 : i32
      %rem3A_208 = arith.remsi %add3A_190, %jit3A_191 : i32
      %ne3A_209 = arith.constant 0 : i32
      %ne3A_210 = arith.cmpi ne, %rem3A_208, %ne3A_209 : i32
      %and3A_211 = arith.andi %ne3A_207, %ne3A_210 : i1
      %sub3A_212 = arith.constant 1 : i32
      %sub3A_213 = arith.subi %div3A_192, %sub3A_212 : i32
      %select_n3A_214 = arith.select %and3A_211, %sub3A_213, %div3A_192 : i32
      %jit3A_215 = arith.constant 4 : i32
      %eq3A_216 = arith.constant 0 : i32
      %eq3A_217 = arith.cmpi eq, %jit3A_215, %eq3A_216 : i32
      %jit3A_218 = arith.constant 1 : i32
      %select_n3A_219 = arith.select %eq3A_217, %jit3A_218, %jit3A_215 : i32
      %rem3A_220 = arith.remsi %add3A_190, %select_n3A_219 : i32
      %ne3A_221 = arith.constant 0 : i32
      %ne3A_222 = arith.cmpi ne, %rem3A_220, %ne3A_221 : i32
      %lt3A_223 = arith.constant 0 : i32
      %lt3A_224 = arith.cmpi slt, %rem3A_220, %lt3A_223 : i32
      %lt3A_225 = arith.constant 0 : i32
      %lt3A_226 = arith.cmpi slt, %select_n3A_219, %lt3A_225 : i32
      %ne3A_227 = arith.xori %lt3A_224, %lt3A_226 : i1
      %and3A_228 = arith.andi %ne3A_227, %ne3A_222 : i1
      %add3A_229 = arith.addi %rem3A_220, %select_n3A_219 : i32
      %select_n3A_230 = arith.select %and3A_228, %add3A_229, %rem3A_220 : i32
      %mul3A_231 = arith.constant 128 : i32
      %mul3A_232 = arith.muli %select_n3A_230, %mul3A_231 : i32
      %jit3A_233 = arith.constant 4 : i32
      %eq3A_234 = arith.constant 0 : i32
      %eq3A_235 = arith.cmpi eq, %jit3A_233, %eq3A_234 : i32
      %jit3A_236 = arith.constant 1 : i32
      %select_n3A_237 = arith.select %eq3A_235, %jit3A_236, %jit3A_233 : i32
      %rem3A_238 = arith.remsi %add3A_190, %select_n3A_237 : i32
      %ne3A_239 = arith.constant 0 : i32
      %ne3A_240 = arith.cmpi ne, %rem3A_238, %ne3A_239 : i32
      %lt3A_241 = arith.constant 0 : i32
      %lt3A_242 = arith.cmpi slt, %rem3A_238, %lt3A_241 : i32
      %lt3A_243 = arith.constant 0 : i32
      %lt3A_244 = arith.cmpi slt, %select_n3A_237, %lt3A_243 : i32
      %ne3A_245 = arith.xori %lt3A_242, %lt3A_244 : i1
      %and3A_246 = arith.andi %ne3A_245, %ne3A_240 : i1
      %add3A_247 = arith.addi %rem3A_238, %select_n3A_237 : i32
      %select_n3A_248 = arith.select %and3A_246, %add3A_247, %rem3A_238 : i32
      %mul3A_249 = arith.constant 128 : i32
      %mul3A_250 = arith.muli %select_n3A_248, %mul3A_249 : i32
      %dma_wait3A_251 = arith.constant 0 : i32
      %dma_wait3A_252 = tpu.memref_slice %arg6[%mul3A_250, %dma_wait3A_251] : memref<512x128xf32, #tpu.memory_space<vmem>> -> memref<128x128xf32, #tpu.memory_space<vmem>>
      %dma_wait3A_253 = tpu.memref_slice %arg5[%select_n3A_214, %mul3A_232] : memref<50x512xi32, #tpu.memory_space<vmem>> -> memref<1x128xi32, #tpu.memory_space<vmem>>
      %dma_wait3A_254 = tpu.memref_squeeze %dma_wait3A_253 : memref<1x128xi32, #tpu.memory_space<vmem>> -> memref<128xi32, #tpu.memory_space<vmem>>
      %dma_wait3A_255 = arith.constant 0 : i32
      %dma_wait3A_256 = arith.constant 0 : i32
      %dma_wait3A_257 = tpu.memref_slice %arg3[%dma_wait3A_255, %dma_wait3A_256] : memref<1000000x128xf32, #tpu.memory_space<hbm>> -> memref<1000000x128xf32, #tpu.memory_space<hbm>>
      tpu.wait_indirect_dma semaphore(%arg9 : memref<!tpu.dma_semaphore, #tpu.memory_space<semaphore_mem>>) src(%dma_wait3A_257 : memref<1000000x128xf32, #tpu.memory_space<hbm>>) dst(%dma_wait3A_252 : memref<128x128xf32, #tpu.memory_space<vmem>>)
      %add3A_258 = arith.constant 4 : i32
      %add3A_259 = arith.addi %add3A_190, %add3A_258 : i32
      %lt3A_260 = arith.constant 200 : i32
      %lt3A_261 = arith.cmpi slt, %add3A_259, %lt3A_260 : i32
      %convert_element_type3A_262 = arith.extui %lt3A_261 : i1 to i32
      %cond3A_263 = arith.constant 0 : i32
      %cond3A_264 = arith.cmpi ne, %convert_element_type3A_262, %cond3A_263 : i32
      scf.if %cond3A_264 {
        %add3A_341 = arith.constant 4 : i32
        %add3A_342 = arith.addi %add3A_190, %add3A_341 : i32
        %jit3A_343 = arith.constant 4 : i32
        %div3A_344 = arith.divsi %add3A_342, %jit3A_343 : i32
        %sign3A_345 = arith.constant 0 : i32
        %sign3A_346 = arith.cmpi sgt, %add3A_342, %sign3A_345 : i32
        %sign3A_347 = arith.extui %sign3A_346 : i1 to i32
        %sign3A_348 = arith.constant 0 : i32
        %sign3A_349 = arith.cmpi slt, %add3A_342, %sign3A_348 : i32
        %sign3A_350 = arith.extui %sign3A_349 : i1 to i32
        %sign3A_351 = arith.subi %sign3A_347, %sign3A_350 : i32
        %sign3A_352 = arith.constant 0 : i32
        %sign3A_353 = arith.cmpi sgt, %jit3A_343, %sign3A_352 : i32
        %sign3A_354 = arith.extui %sign3A_353 : i1 to i32
        %sign3A_355 = arith.constant 0 : i32
        %sign3A_356 = arith.cmpi slt, %jit3A_343, %sign3A_355 : i32
        %sign3A_357 = arith.extui %sign3A_356 : i1 to i32
        %sign3A_358 = arith.subi %sign3A_354, %sign3A_357 : i32
        %ne3A_359 = arith.cmpi ne, %sign3A_351, %sign3A_358 : i32
        %rem3A_360 = arith.remsi %add3A_342, %jit3A_343 : i32
        %ne3A_361 = arith.constant 0 : i32
        %ne3A_362 = arith.cmpi ne, %rem3A_360, %ne3A_361 : i32
        %and3A_363 = arith.andi %ne3A_359, %ne3A_362 : i1
        %sub3A_364 = arith.constant 1 : i32
        %sub3A_365 = arith.subi %div3A_344, %sub3A_364 : i32
        %select_n3A_366 = arith.select %and3A_363, %sub3A_365, %div3A_344 : i32
        %jit3A_367 = arith.constant 4 : i32
        %eq3A_368 = arith.constant 0 : i32
        %eq3A_369 = arith.cmpi eq, %jit3A_367, %eq3A_368 : i32
        %jit3A_370 = arith.constant 1 : i32
        %select_n3A_371 = arith.select %eq3A_369, %jit3A_370, %jit3A_367 : i32
        %rem3A_372 = arith.remsi %add3A_342, %select_n3A_371 : i32
        %ne3A_373 = arith.constant 0 : i32
        %ne3A_374 = arith.cmpi ne, %rem3A_372, %ne3A_373 : i32
        %lt3A_375 = arith.constant 0 : i32
        %lt3A_376 = arith.cmpi slt, %rem3A_372, %lt3A_375 : i32
        %lt3A_377 = arith.constant 0 : i32
        %lt3A_378 = arith.cmpi slt, %select_n3A_371, %lt3A_377 : i32
        %ne3A_379 = arith.xori %lt3A_376, %lt3A_378 : i1
        %and3A_380 = arith.andi %ne3A_379, %ne3A_374 : i1
        %add3A_381 = arith.addi %rem3A_372, %select_n3A_371 : i32
        %select_n3A_382 = arith.select %and3A_380, %add3A_381, %rem3A_372 : i32
        %mul3A_383 = arith.constant 128 : i32
        %mul3A_384 = arith.muli %select_n3A_382, %mul3A_383 : i32
        %jit3A_385 = arith.constant 4 : i32
        %eq3A_386 = arith.constant 0 : i32
        %eq3A_387 = arith.cmpi eq, %jit3A_385, %eq3A_386 : i32
        %jit3A_388 = arith.constant 1 : i32
        %select_n3A_389 = arith.select %eq3A_387, %jit3A_388, %jit3A_385 : i32
        %rem3A_390 = arith.remsi %add3A_342, %select_n3A_389 : i32
        %ne3A_391 = arith.constant 0 : i32
        %ne3A_392 = arith.cmpi ne, %rem3A_390, %ne3A_391 : i32
        %lt3A_393 = arith.constant 0 : i32
        %lt3A_394 = arith.cmpi slt, %rem3A_390, %lt3A_393 : i32
        %lt3A_395 = arith.constant 0 : i32
        %lt3A_396 = arith.cmpi slt, %select_n3A_389, %lt3A_395 : i32
        %ne3A_397 = arith.xori %lt3A_394, %lt3A_396 : i1
        %and3A_398 = arith.andi %ne3A_397, %ne3A_392 : i1
        %add3A_399 = arith.addi %rem3A_390, %select_n3A_389 : i32
        %select_n3A_400 = arith.select %and3A_398, %add3A_399, %rem3A_390 : i32
        %mul3A_401 = arith.constant 128 : i32
        %mul3A_402 = arith.muli %select_n3A_400, %mul3A_401 : i32
        %dma_start3A_403 = arith.constant 0 : i32
        %dma_start3A_404 = tpu.memref_slice %arg6[%mul3A_402, %dma_start3A_403] : memref<512x128xf32, #tpu.memory_space<vmem>> -> memref<128x128xf32, #tpu.memory_space<vmem>>
        %dma_start3A_405 = tpu.memref_slice %arg5[%select_n3A_366, %mul3A_384] : memref<50x512xi32, #tpu.memory_space<vmem>> -> memref<1x128xi32, #tpu.memory_space<vmem>>
        %dma_start3A_406 = tpu.memref_squeeze %dma_start3A_405 : memref<1x128xi32, #tpu.memory_space<vmem>> -> memref<128xi32, #tpu.memory_space<vmem>>
        %dma_start3A_407 = arith.constant 0 : i32
        %dma_start3A_408 = arith.constant 0 : i32
        %dma_start3A_409 = tpu.memref_slice %arg3[%dma_start3A_407, %dma_start3A_408] : memref<1000000x128xf32, #tpu.memory_space<hbm>> -> memref<1000000x128xf32, #tpu.memory_space<hbm>>
        tpu.enqueue_indirect_dma source(%dma_start3A_409 : memref<1000000x128xf32, #tpu.memory_space<hbm>>) target(%dma_start3A_404 : memref<128x128xf32, #tpu.memory_space<vmem>>) offsets(%dma_start3A_406 : memref<128xi32, #tpu.memory_space<vmem>>) semaphore(%arg9 : memref<!tpu.dma_semaphore, #tpu.memory_space<semaphore_mem>>) {add = true}
      } else {
      }
      %add3A_265 = arith.constant 3 : i32
      %add3A_266 = arith.addi %mul3A_49, %add3A_265 : i32
      %jit3A_267 = arith.constant 4 : i32
      %div3A_268 = arith.divsi %add3A_266, %jit3A_267 : i32
      %sign3A_269 = arith.constant 0 : i32
      %sign3A_270 = arith.cmpi sgt, %add3A_266, %sign3A_269 : i32
      %sign3A_271 = arith.extui %sign3A_270 : i1 to i32
      %sign3A_272 = arith.constant 0 : i32
      %sign3A_273 = arith.cmpi slt, %add3A_266, %sign3A_272 : i32
      %sign3A_274 = arith.extui %sign3A_273 : i1 to i32
      %sign3A_275 = arith.subi %sign3A_271, %sign3A_274 : i32
      %sign3A_276 = arith.constant 0 : i32
      %sign3A_277 = arith.cmpi sgt, %jit3A_267, %sign3A_276 : i32
      %sign3A_278 = arith.extui %sign3A_277 : i1 to i32
      %sign3A_279 = arith.constant 0 : i32
      %sign3A_280 = arith.cmpi slt, %jit3A_267, %sign3A_279 : i32
      %sign3A_281 = arith.extui %sign3A_280 : i1 to i32
      %sign3A_282 = arith.subi %sign3A_278, %sign3A_281 : i32
      %ne3A_283 = arith.cmpi ne, %sign3A_275, %sign3A_282 : i32
      %rem3A_284 = arith.remsi %add3A_266, %jit3A_267 : i32
      %ne3A_285 = arith.constant 0 : i32
      %ne3A_286 = arith.cmpi ne, %rem3A_284, %ne3A_285 : i32
      %and3A_287 = arith.andi %ne3A_283, %ne3A_286 : i1
      %sub3A_288 = arith.constant 1 : i32
      %sub3A_289 = arith.subi %div3A_268, %sub3A_288 : i32
      %select_n3A_290 = arith.select %and3A_287, %sub3A_289, %div3A_268 : i32
      %jit3A_291 = arith.constant 4 : i32
      %eq3A_292 = arith.constant 0 : i32
      %eq3A_293 = arith.cmpi eq, %jit3A_291, %eq3A_292 : i32
      %jit3A_294 = arith.constant 1 : i32
      %select_n3A_295 = arith.select %eq3A_293, %jit3A_294, %jit3A_291 : i32
      %rem3A_296 = arith.remsi %add3A_266, %select_n3A_295 : i32
      %ne3A_297 = arith.constant 0 : i32
      %ne3A_298 = arith.cmpi ne, %rem3A_296, %ne3A_297 : i32
      %lt3A_299 = arith.constant 0 : i32
      %lt3A_300 = arith.cmpi slt, %rem3A_296, %lt3A_299 : i32
      %lt3A_301 = arith.constant 0 : i32
      %lt3A_302 = arith.cmpi slt, %select_n3A_295, %lt3A_301 : i32
      %ne3A_303 = arith.xori %lt3A_300, %lt3A_302 : i1
      %and3A_304 = arith.andi %ne3A_303, %ne3A_298 : i1
      %add3A_305 = arith.addi %rem3A_296, %select_n3A_295 : i32
      %select_n3A_306 = arith.select %and3A_304, %add3A_305, %rem3A_296 : i32
      %mul3A_307 = arith.constant 128 : i32
      %mul3A_308 = arith.muli %select_n3A_306, %mul3A_307 : i32
      %jit3A_309 = arith.constant 4 : i32
      %eq3A_310 = arith.constant 0 : i32
      %eq3A_311 = arith.cmpi eq, %jit3A_309, %eq3A_310 : i32
      %jit3A_312 = arith.constant 1 : i32
      %select_n3A_313 = arith.select %eq3A_311, %jit3A_312, %jit3A_309 : i32
      %rem3A_314 = arith.remsi %add3A_266, %select_n3A_313 : i32
      %ne3A_315 = arith.constant 0 : i32
      %ne3A_316 = arith.cmpi ne, %rem3A_314, %ne3A_315 : i32
      %lt3A_317 = arith.constant 0 : i32
      %lt3A_318 = arith.cmpi slt, %rem3A_314, %lt3A_317 : i32
      %lt3A_319 = arith.constant 0 : i32
      %lt3A_320 = arith.cmpi slt, %select_n3A_313, %lt3A_319 : i32
      %ne3A_321 = arith.xori %lt3A_318, %lt3A_320 : i1
      %and3A_322 = arith.andi %ne3A_321, %ne3A_316 : i1
      %add3A_323 = arith.addi %rem3A_314, %select_n3A_313 : i32
      %select_n3A_324 = arith.select %and3A_322, %add3A_323, %rem3A_314 : i32
      %mul3A_325 = arith.constant 128 : i32
      %mul3A_326 = arith.muli %select_n3A_324, %mul3A_325 : i32
      %dma_wait3A_327 = arith.constant 0 : i32
      %dma_wait3A_328 = tpu.memref_slice %arg6[%mul3A_326, %dma_wait3A_327] : memref<512x128xf32, #tpu.memory_space<vmem>> -> memref<128x128xf32, #tpu.memory_space<vmem>>
      %dma_wait3A_329 = tpu.memref_slice %arg5[%select_n3A_290, %mul3A_308] : memref<50x512xi32, #tpu.memory_space<vmem>> -> memref<1x128xi32, #tpu.memory_space<vmem>>
      %dma_wait3A_330 = tpu.memref_squeeze %dma_wait3A_329 : memref<1x128xi32, #tpu.memory_space<vmem>> -> memref<128xi32, #tpu.memory_space<vmem>>
      %dma_wait3A_331 = arith.constant 0 : i32
      %dma_wait3A_332 = arith.constant 0 : i32
      %dma_wait3A_333 = tpu.memref_slice %arg3[%dma_wait3A_331, %dma_wait3A_332] : memref<1000000x128xf32, #tpu.memory_space<hbm>> -> memref<1000000x128xf32, #tpu.memory_space<hbm>>
      tpu.wait_indirect_dma semaphore(%arg10 : memref<!tpu.dma_semaphore, #tpu.memory_space<semaphore_mem>>) src(%dma_wait3A_333 : memref<1000000x128xf32, #tpu.memory_space<hbm>>) dst(%dma_wait3A_328 : memref<128x128xf32, #tpu.memory_space<vmem>>)
      %add3A_334 = arith.constant 4 : i32
      %add3A_335 = arith.addi %add3A_266, %add3A_334 : i32
      %lt3A_336 = arith.constant 200 : i32
      %lt3A_337 = arith.cmpi slt, %add3A_335, %lt3A_336 : i32
      %convert_element_type3A_338 = arith.extui %lt3A_337 : i1 to i32
      %cond3A_339 = arith.constant 0 : i32
      %cond3A_340 = arith.cmpi ne, %convert_element_type3A_338, %cond3A_339 : i32
      scf.if %cond3A_340 {
        %add3A_341 = arith.constant 4 : i32
        %add3A_342 = arith.addi %add3A_266, %add3A_341 : i32
        %jit3A_343 = arith.constant 4 : i32
        %div3A_344 = arith.divsi %add3A_342, %jit3A_343 : i32
        %sign3A_345 = arith.constant 0 : i32
        %sign3A_346 = arith.cmpi sgt, %add3A_342, %sign3A_345 : i32
        %sign3A_347 = arith.extui %sign3A_346 : i1 to i32
        %sign3A_348 = arith.constant 0 : i32
        %sign3A_349 = arith.cmpi slt, %add3A_342, %sign3A_348 : i32
        %sign3A_350 = arith.extui %sign3A_349 : i1 to i32
        %sign3A_351 = arith.subi %sign3A_347, %sign3A_350 : i32
        %sign3A_352 = arith.constant 0 : i32
        %sign3A_353 = arith.cmpi sgt, %jit3A_343, %sign3A_352 : i32
        %sign3A_354 = arith.extui %sign3A_353 : i1 to i32
        %sign3A_355 = arith.constant 0 : i32
        %sign3A_356 = arith.cmpi slt, %jit3A_343, %sign3A_355 : i32
        %sign3A_357 = arith.extui %sign3A_356 : i1 to i32
        %sign3A_358 = arith.subi %sign3A_354, %sign3A_357 : i32
        %ne3A_359 = arith.cmpi ne, %sign3A_351, %sign3A_358 : i32
        %rem3A_360 = arith.remsi %add3A_342, %jit3A_343 : i32
        %ne3A_361 = arith.constant 0 : i32
        %ne3A_362 = arith.cmpi ne, %rem3A_360, %ne3A_361 : i32
        %and3A_363 = arith.andi %ne3A_359, %ne3A_362 : i1
        %sub3A_364 = arith.constant 1 : i32
        %sub3A_365 = arith.subi %div3A_344, %sub3A_364 : i32
        %select_n3A_366 = arith.select %and3A_363, %sub3A_365, %div3A_344 : i32
        %jit3A_367 = arith.constant 4 : i32
        %eq3A_368 = arith.constant 0 : i32
        %eq3A_369 = arith.cmpi eq, %jit3A_367, %eq3A_368 : i32
        %jit3A_370 = arith.constant 1 : i32
        %select_n3A_371 = arith.select %eq3A_369, %jit3A_370, %jit3A_367 : i32
        %rem3A_372 = arith.remsi %add3A_342, %select_n3A_371 : i32
        %ne3A_373 = arith.constant 0 : i32
        %ne3A_374 = arith.cmpi ne, %rem3A_372, %ne3A_373 : i32
        %lt3A_375 = arith.constant 0 : i32
        %lt3A_376 = arith.cmpi slt, %rem3A_372, %lt3A_375 : i32
        %lt3A_377 = arith.constant 0 : i32
        %lt3A_378 = arith.cmpi slt, %select_n3A_371, %lt3A_377 : i32
        %ne3A_379 = arith.xori %lt3A_376, %lt3A_378 : i1
        %and3A_380 = arith.andi %ne3A_379, %ne3A_374 : i1
        %add3A_381 = arith.addi %rem3A_372, %select_n3A_371 : i32
        %select_n3A_382 = arith.select %and3A_380, %add3A_381, %rem3A_372 : i32
        %mul3A_383 = arith.constant 128 : i32
        %mul3A_384 = arith.muli %select_n3A_382, %mul3A_383 : i32
        %jit3A_385 = arith.constant 4 : i32
        %eq3A_386 = arith.constant 0 : i32
        %eq3A_387 = arith.cmpi eq, %jit3A_385, %eq3A_386 : i32
        %jit3A_388 = arith.constant 1 : i32
        %select_n3A_389 = arith.select %eq3A_387, %jit3A_388, %jit3A_385 : i32
        %rem3A_390 = arith.remsi %add3A_342, %select_n3A_389 : i32
        %ne3A_391 = arith.constant 0 : i32
        %ne3A_392 = arith.cmpi ne, %rem3A_390, %ne3A_391 : i32
        %lt3A_393 = arith.constant 0 : i32
        %lt3A_394 = arith.cmpi slt, %rem3A_390, %lt3A_393 : i32
        %lt3A_395 = arith.constant 0 : i32
        %lt3A_396 = arith.cmpi slt, %select_n3A_389, %lt3A_395 : i32
        %ne3A_397 = arith.xori %lt3A_394, %lt3A_396 : i1
        %and3A_398 = arith.andi %ne3A_397, %ne3A_392 : i1
        %add3A_399 = arith.addi %rem3A_390, %select_n3A_389 : i32
        %select_n3A_400 = arith.select %and3A_398, %add3A_399, %rem3A_390 : i32
        %mul3A_401 = arith.constant 128 : i32
        %mul3A_402 = arith.muli %select_n3A_400, %mul3A_401 : i32
        %dma_start3A_403 = arith.constant 0 : i32
        %dma_start3A_404 = tpu.memref_slice %arg6[%mul3A_402, %dma_start3A_403] : memref<512x128xf32, #tpu.memory_space<vmem>> -> memref<128x128xf32, #tpu.memory_space<vmem>>
        %dma_start3A_405 = tpu.memref_slice %arg5[%select_n3A_366, %mul3A_384] : memref<50x512xi32, #tpu.memory_space<vmem>> -> memref<1x128xi32, #tpu.memory_space<vmem>>
        %dma_start3A_406 = tpu.memref_squeeze %dma_start3A_405 : memref<1x128xi32, #tpu.memory_space<vmem>> -> memref<128xi32, #tpu.memory_space<vmem>>
        %dma_start3A_407 = arith.constant 0 : i32
        %dma_start3A_408 = arith.constant 0 : i32
        %dma_start3A_409 = tpu.memref_slice %arg3[%dma_start3A_407, %dma_start3A_408] : memref<1000000x128xf32, #tpu.memory_space<hbm>> -> memref<1000000x128xf32, #tpu.memory_space<hbm>>
        tpu.enqueue_indirect_dma source(%dma_start3A_409 : memref<1000000x128xf32, #tpu.memory_space<hbm>>) target(%dma_start3A_404 : memref<128x128xf32, #tpu.memory_space<vmem>>) offsets(%dma_start3A_406 : memref<128xi32, #tpu.memory_space<vmem>>) semaphore(%arg10 : memref<!tpu.dma_semaphore, #tpu.memory_space<semaphore_mem>>) {add = true}
      } else {
      }
    }
    %scan3A_46 = arith.constant 50 : i32
    "tpu.region"() ({
      %run_scoped3A = tpu.sem_alloc : memref<!tpu.dma_semaphore, #tpu.memory_space<semaphore_mem>>
      %dma_start3A_47 = arith.constant 0 : i32
      %dma_start3A_48 = tpu.memref_slice %arg4[%mul3A_2, %dma_start3A_47] : memref<16384x128xf32, #tpu.memory_space<hbm>> -> memref<512x128xf32, #tpu.memory_space<hbm>>
      %dma_start3A_49 = arith.constant 0 : i32
      %dma_start3A_50 = tpu.memref_slice %arg4[%mul3A_2, %dma_start3A_49] : memref<16384x128xf32, #tpu.memory_space<hbm>> -> memref<512x128xf32, #tpu.memory_space<hbm>>
      tpu.enqueue_dma source(%arg6 : memref<512x128xf32, #tpu.memory_space<vmem>>) target(%dma_start3A_50 : memref<512x128xf32, #tpu.memory_space<hbm>>) target_semaphore(%run_scoped3A : memref<!tpu.dma_semaphore, #tpu.memory_space<semaphore_mem>>)
      %dma_wait3A = arith.constant 0 : i32
      %dma_wait3A_51 = tpu.memref_slice %arg4[%mul3A_2, %dma_wait3A] : memref<16384x128xf32, #tpu.memory_space<hbm>> -> memref<512x128xf32, #tpu.memory_space<hbm>>
      %dma_wait3A_52 = arith.constant 0 : i32
      %dma_wait3A_53 = tpu.memref_slice %arg4[%mul3A_2, %dma_wait3A_52] : memref<16384x128xf32, #tpu.memory_space<hbm>> -> memref<512x128xf32, #tpu.memory_space<hbm>>
      tpu.wait_dma2 semaphore(%run_scoped3A : memref<!tpu.dma_semaphore, #tpu.memory_space<semaphore_mem>>) src(%arg6 : memref<512x128xf32, #tpu.memory_space<vmem>>) dst(%dma_wait3A_53 : memref<512x128xf32, #tpu.memory_space<hbm>>)
      tpu.yield
    }) : () -> ()
    return
  }
}

module attributes {stable_mosaic.version = 14 : i64} {
  func.func @_padtr_kernel(%arg0: i32, %arg1: memref<64x16384xf32, #tpu.memory_space<vmem>>, %arg2: memref<16384x128xf32, #tpu.memory_space<vmem>>) attributes {dimension_semantics = [#tpu.dimension_semantics<arbitrary>], iteration_bounds = array<i64: 62>, scalar_prefetch = 0 : i64, scratch_operands = 0 : i64, tpu.core_type = #tpu.core_type<tc>, window_params = [{transform_indices = @transform_0, window_bounds = array<i64: 64, 16384>}, {transform_indices = @transform_1, window_bounds = array<i64: 16384, 128>}]} {
    %get3A = arith.constant 0 : index
    %get3A_0 = arith.constant 0 : index
    %get3A_1 = vector.load %arg1[%get3A, %get3A_0] : memref<64x16384xf32, #tpu.memory_space<vmem>>, vector<64x16384xf32>
    %transpose3A = tpu.transpose %get3A_1, [1, 0] : vector<64x16384xf32> -> vector<16384x64xf32>
    %swap3A = arith.constant 0 : index
    %swap3A_2 = arith.constant 0 : index
    %swap3A_3 = vector.load %arg2[%swap3A, %swap3A_2] : memref<16384x128xf32, #tpu.memory_space<vmem>>, vector<16384x64xf32>
    tpu.vector_store %arg2[%swap3A, %swap3A_2], %transpose3A {strides = array<i32>} : memref<16384x128xf32, #tpu.memory_space<vmem>>, vector<16384x64xf32>,
    return
  }
  func.func @transform_0(%arg0: i32) -> (i32, i32) {
    %c0_i32 = arith.constant 0 : i32
    %c0_i32_0 = arith.constant 0 : i32
    return %c0_i32, %arg0 : i32, i32
  }
  func.func @transform_1(%arg0: i32) -> (i32, i32) {
    %c0_i32 = arith.constant 0 : i32
    %c0_i32_0 = arith.constant 0 : i32
    return %arg0, %c0_i32 : i32, i32
  }
}

module attributes {stable_mosaic.version = 14 : i64} {
  func.func @_norm_kernel(%arg0: i32, %arg1: memref<1024x128xf32, #tpu.memory_space<vmem>>, %arg2: memref<64x1024xf32, #tpu.memory_space<vmem>>) attributes {dimension_semantics = [#tpu.dimension_semantics<arbitrary>], iteration_bounds = array<i64: 16>, scalar_prefetch = 0 : i64, scratch_operands = 0 : i64, tpu.core_type = #tpu.core_type<tc>, window_params = [{transform_indices = @transform_0, window_bounds = array<i64: 1024, 128>}, {transform_indices = @transform_1, window_bounds = array<i64: 64, 1024>}]} {
    %get3A = arith.constant 0 : index
    %get3A_0 = arith.constant 0 : index
    %get3A_1 = vector.load %arg1[%get3A, %get3A_0] : memref<1024x128xf32, #tpu.memory_space<vmem>>, vector<1024x64xf32>
    %mul3A = arith.mulf %get3A_1, %get3A_1 : vector<1024x64xf32>
    %reduce_sum3A = arith.constant dense<0.000000e+00> : vector<1024xf32>
    %reduce_sum3A_2 = vector.multi_reduction <add>, %mul3A, %reduce_sum3A [1] : vector<1024x64xf32> to vector<1024xf32>
    %broadcast_in_dim3A = vector.shape_cast %reduce_sum3A_2 : vector<1024xf32> to vector<1024x1xf32>
    %max3A = arith.constant 2.500000e-21 : f32
    %max3A_3 = vector.broadcast %max3A : f32 to vector<1024x1xf32>
    %max3A_4 = arith.maximumf %broadcast_in_dim3A, %max3A_3 : vector<1024x1xf32>
    %rsqrt3A = math.rsqrt %max3A_4 : vector<1024x1xf32>
    %mul3A_5 = vector.broadcast %rsqrt3A : vector<1024x1xf32> to vector<1024x64xf32>
    %mul3A_6 = arith.mulf %get3A_1, %mul3A_5 : vector<1024x64xf32>
    %transpose3A = tpu.transpose %mul3A_6, [1, 0] : vector<1024x64xf32> -> vector<64x1024xf32>
    %swap3A = arith.constant 0 : index
    %swap3A_7 = arith.constant 0 : index
    %swap3A_8 = vector.load %arg2[%swap3A, %swap3A_7] : memref<64x1024xf32, #tpu.memory_space<vmem>>, vector<64x1024xf32>
    tpu.vector_store %arg2[%swap3A, %swap3A_7], %transpose3A {strides = array<i32>} : memref<64x1024xf32, #tpu.memory_space<vmem>>, vector<64x1024xf32>,
    return
  }
  func.func @transform_0(%arg0: i32) -> (i32, i32) {
    %c0_i32 = arith.constant 0 : i32
    %c0_i32_0 = arith.constant 0 : i32
    return %arg0, %c0_i32 : i32, i32
  }
  func.func @transform_1(%arg0: i32) -> (i32, i32) {
    %c0_i32 = arith.constant 0 : i32
    %c0_i32_0 = arith.constant 0 : i32
    return %c0_i32, %arg0 : i32, i32
  }
}

</mosaic_0001>

<sc_bundles>
// kernel: kernel.5.cloned.1.call-start
scs
__scs_entry_jumppad:
0x0: {  	(pc) =	sbr.rel $0x88, $3  }
0x1: {  	(tag) =	ssettag $0x0;
	lr =	simm.s32 $0x1  }
0x2: {  	[smem:$0x3F9F] =	sst lr;
	_ =	strace $0xD0000000  }
0x3: {  	_ = 	snop  }
0x4: {  	_ = 	snop  }
0x5: {  	_ = 	snop  }
0x6: {  	_ = 	snop  }
0x7: {  	_ = 	snop  }
__scs_overlays_trampoline_lowered:
0x8: {  	[smem:$0x3FAE] =	sst s0  }
0x9: {  	[smem:$0x3FAF] =	sst s1  }
0xa: {  	[smem:$0x3FB0] =	sst s2  }
0xb: {  	[smem:$0x3FB1] =	sst s3  }
0xc: {  	[smem:$0x3FB2] =	sst s4  }
0xd: {  	[smem:$0x3FB3] =	sst s5  }
0xe: {  	[smem:$0x3FB4] =	sst s6  }
0xf: {  	[smem:$0x3FB5] =	sst s7  }
0x10: {  	[smem:$0x3FB6] =	sst s8  }
0x11: {  	[smem:$0x3FB7] =	sst s9;
	s0 =	simm.s32 @!p0 $0x0  }
0x12: {  	s1 =	sld [smem:$0x3F9D];
	s0 =	simm.s32 @p0 $0x1  }
0x13: {  	[smem:$0x3FB8] =	sst s0;
	s0 =	simm.s32 @!p1 $0x0  }
0x14: {  	s2 =	sld [smem:$0x3F9C];
	s0 =	simm.s32 @p1 $0x1  }
0x15: {  	[smem:$0x3FB9] =	sst s0;
	s0 =	simm.s32 @!p2 $0x0  }
0x16: {  	s3 =	sld [smem:$0x3FDB];
	s0 =	simm.s32 @p2 $0x1  }
0x17: {  	s4 =	simm.s32 $0x1BF5;
	[smem:$0x3FBB] =	sst s0  }
0x18: {  	s0 =	sld [smem:$0x3F9E];
	_ =	swait.ge [sflag:s4], $0x0  }
0x19: {  	s7 =	sld [smem:$0x3F9F]  }
0x1a: {  	s8 =	sadd.s32 $0xFFFFE003, lr  }
0x1b: {  	s9 =	sadd.s32 $0xFFFFFEF7, lr;
	s5 =	simm.s32 $0xFFFFFFFF;
	p2 =	slt.u32 s8, $0xFFFFF086  }
0x1c: {  	p1 =	slt.u32 s9, $0xF7A;
	s5 =	simm.s32 @!p2 $0x0  }
0x1d: {  	s5 =	simm.s32 @p1 $0x1;
	p0 =	seq.s32 s7, s2  }
0x1e: {  	s7 =	smul.u32 @!p0 $0xF7A, s2;
	p2 =	seq.s32 @!p0 s5, $0x0  }
0x1f: {  	s9 =	smul.u32 $0xF7A, s1;
	s8 =	simm.s32 @!p0 $0x1BF5;
	p2 =	por !p2, p0  }
0x20: {  	[sflag:s8] =	ssyncset.s32 @!p0 $0xFFFFF086;
	s6 =	sadd.s32 @!p0 s3, s7;
	s7 =	simm.s32 @!p0 $0x108  }
0x21: {  	s3 =	sadd.s32 s3, s9;
	s6 =	sadd.s32 @!p0 $0x88, s6;
	s7 =	simm.s32 @p2 $0x1082  }
0x22: {  	[simem:s7], [sflag:s8] =	dma.local @!p0 [hbm:s6], $0xF7A  }
0x23: {  	s9 =	sor.u32 $0xD0000000, s2;
	s6 =	simm.s32 $0x108;
	_ =	swait.ge @!p0 [sflag:s8], $0x0  }
0x24: {  	s3 =	sadd.s32 $0x88, s3;
	s6 =	simm.s32 @!p1 $0x1082;
	[sflag:s4] =	ssyncset.s32 $0xFFFFF086  }
0x25: {  	[simem:s6], [sflag:s4] =	dma.local [hbm:s3], $0xF7A  }
0x26: {  	[smem:$0x3F9F] =	sst s1;
	(tag) =	ssettag s2;
	_ =	strace s9  }
0x27: {  	s1 =	sld [smem:$0x3FAF]  }
0x28: {  	s2 =	sld [smem:$0x3FB0]  }
0x29: {  	s4 =	sld [smem:$0x3FB2]  }
0x2a: {  	p0 =	seq.s32 s5, $0x0;
	s5 =	sld [smem:$0x3FB3]  }
0x2b: {  	s6 =	sld [smem:$0x3FB4]  }
0x2c: {  	s7 =	sld [smem:$0x3FB5]  }
0x2d: {  	s3 =	simm.s32 $0x108;
	s8 =	sld [smem:$0x3FB6]  }
0x2e: {  	s3 =	simm.s32 @!p0 $0x1082;
	s9 =	sld [smem:$0x3FB7]  }
0x2f: {  	lr =	sadd.s32 s0, s3;
	s0 =	sld [smem:$0x3FAE]  }
0x30: {  	s3 =	sld [smem:$0x3FB1]  }
0x31: {  	[smem:$0x3FBA] =	sst s10  }
0x32: {  	s10 =	sld [smem:$0x3FB8];
	_ =	sdelay $0x3  }
0x33: {  	p0 =	seq.s32 s10, $0x1;
	s10 =	sld [smem:$0x3FBA];
	_ =	sdelay $0x3  }
0x34: {  	[smem:$0x3FBA] =	sst s10  }
0x35: {  	s10 =	sld [smem:$0x3FB9];
	_ =	sdelay $0x3  }
0x36: {  	p1 =	seq.s32 s10, $0x1;
	s10 =	sld [smem:$0x3FBA];
	_ =	sdelay $0x3  }
0x37: {  	[smem:$0x3FBA] =	sst s10  }
0x38: {  	s10 =	sld [smem:$0x3FBB]  }
0x39: {  	_ = 	snop;
	(pc) =	sbr.ind lr, $3  }
0x3a: {  	_ = 	snop  }
0x3b: {  	_ = 	snop  }
0x3c: {  	p2 =	seq.s32 s10, $0x1;
	s10 =	sld [smem:$0x3FBA]  }
0x3d: {  	_ =	shalt  }
0x3e: {  	_ =	shalt  }
0x3f: {  	_ =	shalt  }
0x40: {  	_ =	shalt  }
0x41: {  	_ =	shalt  }
0x42: {  	_ =	shalt  }
0x43: {  	_ =	shalt  }
0x44: {  	_ =	shalt  }
0x45: {  	_ =	shalt  }
0x46: {  	_ =	shalt  }
0x47: {  	_ =	shalt  }
0x48: {  	_ =	shalt  }
0x49: {  	_ =	shalt  }
0x4a: {  	_ =	shalt  }
0x4b: {  	_ =	shalt  }
0x4c: {  	_ =	shalt  }
0x4d: {  	_ =	shalt  }
0x4e: {  	_ =	shalt  }
0x4f: {  	_ =	shalt  }
0x50: {  	_ =	shalt  }
0x51: {  	_ =	shalt  }
0x52: {  	_ =	shalt  }
0x53: {  	_ =	shalt  }
0x54: {  	_ =	shalt  }
0x55: {  	_ =	shalt  }
0x56: {  	_ =	shalt  }
0x57: {  	_ =	shalt  }
0x58: {  	_ =	shalt  }
0x59: {  	_ =	shalt  }
0x5a: {  	_ =	shalt  }
0x5b: {  	_ =	shalt  }
0x5c: {  	_ =	shalt  }
0x5d: {  	_ =	shalt  }
0x5e: {  	_ =	shalt  }
0x5f: {  	_ =	shalt  }
0x60: {  	_ =	shalt  }
0x61: {  	_ =	shalt  }
0x62: {  	_ =	shalt  }
0x63: {  	_ =	shalt  }
0x64: {  	_ =	shalt  }
0x65: {  	_ =	shalt  }
0x66: {  	_ =	shalt  }
0x67: {  	_ =	shalt  }
0x68: {  	_ =	shalt  }
0x69: {  	_ =	shalt  }
0x6a: {  	_ =	shalt  }
0x6b: {  	_ =	shalt  }
0x6c: {  	_ =	shalt  }
0x6d: {  	_ =	shalt  }
0x6e: {  	_ =	shalt  }
0x6f: {  	_ =	shalt  }
0x70: {  	_ =	shalt  }
0x71: {  	_ =	shalt  }
0x72: {  	_ =	shalt  }
0x73: {  	_ =	shalt  }
0x74: {  	_ =	shalt  }
0x75: {  	_ =	shalt  }
0x76: {  	_ =	shalt  }
0x77: {  	_ =	shalt  }
0x78: {  	_ =	shalt  }
0x79: {  	_ =	shalt  }
0x7a: {  	_ =	shalt  }
0x7b: {  	_ =	shalt  }
0x7c: {  	_ =	shalt  }
0x7d: {  	_ =	shalt  }
0x7e: {  	_ =	shalt  }
0x7f: {  	_ =	shalt  }
0x80: {  	_ =	shalt  }
0x81: {  	_ =	shalt  }
0x82: {  	_ =	shalt  }
0x83: {  	_ =	shalt  }
0x84: {  	_ =	shalt  }
0x85: {  	_ =	shalt  }
0x86: {  	_ =	shalt  }
0x87: {  	_ =	shalt  }
.Lfunc_end0:
.L_simem_size_0:
called_computation_lowered:
.L_overlay_start_0:
0x88: {  	s2 =	sld [smem:$0x3FD9]  }
0x89: {  	s3 =	sld [smem:$0x3FFE];
	_ =	sdelay $0x1  }
0x8a: {  	s1 =	srdreg.scid  }
0x8b: {  	s0 =	sand.u32 $0x1, s1  }
0x8c: {  	s17 =	sshll.u32 s0, $0xA;
	s2 =	sadd.s32 s3, s2  }
0x8d: {  	s2 =	sadd.s32 s2, s17  }
0x8e: {  	[smem:$0x3FC6] =	sst s2  }
0x8f: {  	_ = 	snop  }
0x90: {  	s2 =	sld [smem:$0x3FC9];
	(tm) =	ssettm $0x1  }
0x91: {  	s18 =	sld [smem:$0x3FFB];
	_ =	sdelay $0x3  }
0x92: {  	_ =	strace s18  }
0x93: {  	s3 =	sld [smem:$0x3FFC];
	_ =	sdelay $0x3  }
0x94: {  	_ =	strace s3  }
0x95: {  	s3 =	sld [smem:$0x3FFD];
	_ =	sdelay $0x3  }
0x96: {  	_ =	strace s3  }
0x97: {  	_ =	strace $0x8FFFFFFF  }
0x98: {  	s19 =	sld [smem:$0x3FDB];
	_ =	sdelay $0x1  }
0x99: {  	s4 =	simm.s32 $_scs_section_size  }
0x9a: {  	s5 =	simm.s32 $_size__tile_overlayer_lowered;
	s6 =	simm.s32 $_tile_overlayer_lowered  }
0x9b: {  	s22 =	simm.s32 $0x1BFF;
	s21 =	sshll.u32 s6, $0x1;
	s3 =	sadd.s32 s4, s19  }
0x9c: {  	s7 =	simm.s32 $0x0;
	s20 =	sshll.u32 s5, $0x1;
	s5 =	sadd.s32 s21, s3  }
0x9d: {  	[timem:s7], [sflag:s22] =	dma.local [hbm:s5], s20  }
0x9e: {  	_ =	swait.ge [sflag:s22], s20  }
0x9f: {  	s4 =	ssub.s32 $0x0, s20;
	[sflag:s22] =	ssyncset.done $0x0  }
0xa0: {  	[sflag:s22] =	ssyncadd.s32 s4;
	_ =	sdelay $0x1  }
0xa1: {  	s23 =	simm.s32 $0x1B8B  }
0xa2: {  	_ =	swait.ge [sflag:s23], $0x1  }
0xa3: {  	[sflag:s23] =	ssyncset.done $0x0  }
0xa4: {  	s25 =	simm.s32 $0x1B8E;
	s24 =	sld [smem:$0x3FFE];
	[sflag:s23] =	ssyncadd.s32 $0xFFFFFFFF  }
0xa5: {  	s26 =	simm.s32 $execute0_lowered;
	[smem:$0x3FD2] =	sst s25  }
0xa6: {  	s5 =	sshll.u32 s26, $0x1;
	_ =	strace $0x80000046;
	[dreg:$0x1] =	wrdreg $0xFFFFFFFF  }
0xa7: {  	s28 =	simm.s32 $_size_execute0_lowered;
	s3 =	sadd.s32 s3, s5;
	[dreg:$0x0] =	wrdreg $0x0  }
0xa8: {  	s5 =	sshll.u32 s28, $0x1;
	[dreg:$0x2] =	wrdreg s3  }
0xa9: {  	[dreg:$0x3] =	wrdreg s5  }
0xaa: {  	[dreg:$0x4] =	wrdreg $0xC0  }
0xab: {  	_ =	task [dreg:s7], $0x5FFFF  }
0xac: {  	[dreg:$0x1] =	wrdreg $0xFFFFFFFF  }
0xad: {  	[dreg:$0x0] =	wrdreg $0x60  }
0xae: {  	[dreg:$0x2] =	wrdreg s2  }
0xaf: {  	[dreg:$0x3] =	wrdreg s24  }
0xb0: {  	[dreg:$0x4] =	wrdreg $0x9  }
0xb1: {  	_ =	task.clear_ibuf [dreg:s7], $0x5FFFF;
	_ =	strace $0x90000046  }
0xb2: {  	s29 =	simm.s32 $0x9;
	_ =	strace $0x80000048  }
0xb3: {  	_ =	swait.ge [sflag:s29], $0x1  }
0xb4: {  	[sflag:s29] =	ssyncadd.s32 $0xFFFFFFFF  }
0xb5: {  	_ =	strace $0x90000048  }
0xb6: {  	_ =	sfence  }
0xb7: {  	s30 =	sld [smem:$0x0];
	_ =	sdelay $0x2  }
0xb8: {  	s31 =	sshll.u32 s1, $0xD;
	s1 =	sshrl.u32 s1, $0x2  }
0xb9: {  	s3 =	sand.u32 $0x4000, s31;
	s1 =	sadd.s32 s1, s30  }
0xba: {  	s0 =	sor.u32 s3, s0;
	s1 =	sshll.u32 s1, $0x11  }
0xbb: {  	s0 =	sor.u32 s1, s0  }
0xbc: {  	s0 =	sadd.s32 $0x8F2B, s0  }
0xbd: {  	[sflag:s0] =	ssyncadd.remote.s32 $0x1  }
0xbe: {  	_ =	sfence.sel $0xFFFF  }
0xbf: {  	[dreg:$0x0] =	wrdreg $0xFFFFFFFF;
	(pc) =	sbr.abs _section_cstart, $3  }
0xc0: {  	[dreg:$0x1] =	wrdreg $0xFFFFFFFF  }
0xc1: {  	_ =	task.clear_ibuf [dreg:s7], $0x2FFFF;
	_ =	strace $0x9FFFFFFF  }
0xc2: {  	(tm) =	ssettm $0x7FFFFFFF  }
0xc3: {  	_ =	shalt  }
tec
execute0_lowered:
.L_overlay_start_1:
0x0: {  	(tag) =	ssettag $0x1  }
0x1: {  	s4 =	rddreg [dreg:$0x0]  }
0x2: {  	s5 =	rddreg [dreg:$0x1]  }
0x3: {  	s0 =	rddreg [dreg:$0x2];
	s3 =	srdreg.scid  }
0x4: {  	s2 =	simm.s32 $0x0;
	s1 =	stileid.u32;
	s10 =	simm.s32 $0x7000  }
0x5: {  	s11 =	simm.s32 $0x400;
	s12 =	simm.s32 $0xB000;
	s13 =	simm.s32 $0x800  }
0x6: {  	s14 =	simm.s32 $0xF000;
	s15 =	simm.s32 $0xC00;
	s16 =	simm.s32 $0x13000  }
0x7: {  	s17 =	simm.s32 $0x1;
	s18 =	simm.s32 $0x80;
	s19 =	simm.s32 $0x2  }
0x8: {  	s20 =	simm.s32 $0x3;
	s21 =	simm.s32 $0x4;
	s22 =	simm.s32 $0x0  }
0x9: {  	s3 =	sand.u32 $0x1, s3;
	[smem:$0x7FF] =	sst s2;
	s6 =	sshll.u32 s1, $0xA  }
0xa: {  	s7 =	sshll.u32 s3, $0x9;
	_ =	strace $0x80000047;
	s31 =	ssub.s32 $0x2, s3  }
0xb: {  	s3 =	sadd.s32 $0x600, s5;
	s6 =	sor.u32 s7, s6;
	s9 =	sshrl.u32 s31, $0x1  }
0xc: {  	s8 =	sshll.u32 s6, $0x4;
	s7 =	ssub.s32 s31, s9;
	s4 =	sadd.s32 s4, s6  }
0xd: {  	s9 =	simm.s32 $0x5;
	s5 =	sadd.s32 s8, s5;
	s6 =	smax.u32 s7, $0x1  }
0xe: {  	s7 =	simm.s32 $0x1000;
	s8 =	simm.s32 $0x20000;
	s5 =	sadd.s32 $0xF42A00, s5  }
.LBB2_1:
0xf: {  	[tilespmem:s2], [sflag:$0x5] =	stream.strided.gather [hbm4b:s4+s7], $0x7000, s8, s7, $0x38;
	[tilespmem:$0x17000] =	vst v63  }
0x10: {  	_ =	swait.ge [sflag:s9], $0x7000  }
0x11: {  	[sflag:s9] =	ssyncset.done $0x0  }
0x12: {  	[sflag:s9] =	ssyncadd.s32 $0xFFFF9000  }
0x13: {  	[tilespmem:s10], [sflag:$0x1] =	stream.indirect.gather [hbm4b:s3+s18], $0x80, s2, s18, $0xb8;
	[tilespmem:$0x17000] =	vst v63  }
0x14: {  	_ = 	snop  }
0x15: {  	[tilespmem:s12], [sflag:$0x2] =	stream.indirect.gather [hbm4b:s3+s18], $0x80, s11, s18, $0xb8;
	[tilespmem:$0x17000] =	vst v63  }
0x16: {  	_ = 	snop  }
0x17: {  	[tilespmem:s14], [sflag:$0x3] =	stream.indirect.gather [hbm4b:s3+s18], $0x80, s13, s18, $0xb8;
	[tilespmem:$0x17000] =	vst v63  }
0x18: {  	_ = 	snop  }
0x19: {  	[tilespmem:s16], [sflag:$0x4] =	stream.indirect.gather [hbm4b:s3+s18], $0x80, s15, s18, $0xb8;
	[tilespmem:$0x17000] =	vst v63  }
0x1a: {  	s23 =	simm.s32 $0x200;
	_ =	swait.ge [sflag:s17], $0x4000  }
0x1b: {  	s24 =	sand.u32 $0x380, s18;
	s23 =	sand.u32 $0xF000, s23;
	[sflag:s17] =	ssyncset.done $0x0  }
0x1c: {  	s24 =	sor.u32 s24, s23;
	[sflag:s17] =	ssyncadd.s32 $0xFFFFC000  }
0x1d: {  	[tilespmem:s10], [sflag:$0x1] =	stream.indirect.gather.add.f32 [hbm:s3], $0x80, s24, s18, $0xb8;
	[tilespmem:$0x17000] =	vst v63  }
0x1e: {  	_ =	swait.ge [sflag:s19], $0x4000  }
0x1f: {  	[sflag:s19] =	ssyncset.done $0x0  }
0x20: {  	s23 =	sor.u32 $0x400, s24;
	[sflag:s19] =	ssyncadd.s32 $0xFFFFC000  }
0x21: {  	[tilespmem:s12], [sflag:$0x2] =	stream.indirect.gather.add.f32 [hbm:s3], $0x80, s23, s18, $0xb8;
	[tilespmem:$0x17000] =	vst v63  }
0x22: {  	_ =	swait.ge [sflag:s20], $0x4000  }
0x23: {  	[sflag:s20] =	ssyncset.done $0x0  }
0x24: {  	s31 =	sor.u32 $0x800, s24;
	[sflag:s20] =	ssyncadd.s32 $0xFFFFC000  }
0x25: {  	[tilespmem:s14], [sflag:$0x3] =	stream.indirect.gather.add.f32 [hbm:s3], $0x80, s31, s18, $0xb8;
	[tilespmem:$0x17000] =	vst v63  }
0x26: {  	_ =	swait.ge [sflag:s21], $0x4000  }
0x27: {  	s25 =	sor.u32 $0xC00, s24;
	[sflag:s21] =	ssyncset.done $0x0  }
0x28: {  	s24 =	simm.s32 $0x400;
	s23 =	simm.s32 $0x100;
	[sflag:s21] =	ssyncadd.s32 $0xFFFFC000  }
.LBB2_2:
0x29: {  	[tilespmem:s16], [sflag:$0x4] =	stream.indirect.gather.add.f32 [hbm:s3], $0x80, s25, s18, $0xb8;
	[tilespmem:$0x17000] =	vst v63  }
0x2a: {  	s25 =	smov.u32 s23  }
0x2b: {  	p0 =	sne.s32 s23, $0x1880;
	s23 =	sadd.s32 $0x80, s23;
	_ =	swait.ge [sflag:s17], $0x4000  }
0x2c: {  	s26 =	sand.u32 $0xF000, s24;
	s25 =	sand.u32 $0x380, s25;
	[sflag:s17] =	ssyncset.done $0x0  }
0x2d: {  	s25 =	sor.u32 s25, s26;
	[sflag:s17] =	ssyncadd.s32 $0xFFFFC000  }
0x2e: {  	[tilespmem:s10], [sflag:$0x1] =	stream.indirect.gather.add.f32 [hbm:s3], $0x80, s25, s18, $0xb8;
	[tilespmem:$0x17000] =	vst v63  }
0x2f: {  	_ =	swait.ge [sflag:s19], $0x4000  }
0x30: {  	[sflag:s19] =	ssyncset.done $0x0  }
0x31: {  	s26 =	sor.u32 $0x400, s25;
	[sflag:s19] =	ssyncadd.s32 $0xFFFFC000  }
0x32: {  	[tilespmem:s12], [sflag:$0x2] =	stream.indirect.gather.add.f32 [hbm:s3], $0x80, s26, s18, $0xb8;
	[tilespmem:$0x17000] =	vst v63  }
0x33: {  	_ =	swait.ge [sflag:s20], $0x4000  }
0x34: {  	[sflag:s20] =	ssyncset.done $0x0  }
.Ltmp0:
0x35: {  	s26 =	sor.u32 $0x800, s25;
	[sflag:s20] =	ssyncadd.s32 $0xFFFFC000;
	(pc) =	sbr.rel @p0 .LBB2_2-.Ltmp0, $4  }
0x36: {  	[tilespmem:s14], [sflag:$0x3] =	stream.indirect.gather.add.f32 [hbm:s3], $0x80, s26, s18, $0xb8;
	[tilespmem:$0x17000] =	vst v63  }
0x37: {  	_ =	swait.ge [sflag:s21], $0x4000  }
0x38: {  	[sflag:s21] =	ssyncset.done $0x0  }
0x39: {  	s24 =	sadd.s32 $0x200, s24;
	s25 =	sor.u32 $0xC00, s25;
	[sflag:s21] =	ssyncadd.s32 $0xFFFFC000  }
0x3a: {  	[tilespmem:s16], [sflag:$0x4] =	stream.indirect.gather.add.f32 [hbm:s3], $0x80, s25, s18, $0xb8;
	[tilespmem:$0x17000] =	vst v63  }
0x3b: {  	_ =	swait.ge [sflag:s17], $0x4000  }
0x3c: {  	[sflag:s17] =	ssyncset.done $0x0  }
0x3d: {  	[sflag:s17] =	ssyncadd.s32 $0xFFFFC000  }
0x3e: {  	_ =	swait.ge [sflag:s19], $0x4000  }
0x3f: {  	[sflag:s19] =	ssyncset.done $0x0  }
0x40: {  	[sflag:s19] =	ssyncadd.s32 $0xFFFFC000  }
0x41: {  	_ =	swait.ge [sflag:s20], $0x4000  }
0x42: {  	[sflag:s20] =	ssyncset.done $0x0  }
0x43: {  	[sflag:s20] =	ssyncadd.s32 $0xFFFFC000  }
0x44: {  	s22 =	sadd.s32 $0x1, s22;
	_ =	swait.ge [sflag:s21], $0x4000  }
0x45: {  	p0 =	sne.s32 s22, s6;
	[sflag:s21] =	ssyncset.done $0x0  }
.Ltmp1:
0x46: {  	[sflag:s21] =	ssyncadd.s32 $0xFFFFC000;
	(pc) =	sbr.rel @p0 .LBB2_1-.Ltmp1, $4  }
0x47: {  	[hbm4b:s5+s2] =	stream.linear.scatter [tilespmem:s10], [sflag:$0x5], $0x10000, $0x38;
	[tilespmem:$0x17000] =	vst v63  }
0x48: {  	_ =	swait.ge [sflag:s9], $0x10000  }
0x49: {  	[sflag:s9] =	ssyncset.done $0x0  }
0x4a: {  	[sflag:s9] =	ssyncadd.s32 $0xFFFF0000  }
0x4b: {  	_ =	sfence.sel $0x180000  }
0x4c: {  	[bflag:$0x0] =	sbarrier.arrive $0xFFFF  }
0x4d: {  	p0 =	sne.s32 s1, $0x0;
	_ =	strace $0x90000047  }
0x4e: {  	s0 =	sadd.s32 @!p0 $0x100000, s0;
	[bflag:$0x2] =	sbarrier.arrive $0xFFFF  }
0x4f: {  	[sflag:s0] =	ssyncadd.tile.s32 @!p0 $0x1;
	_ =	shalt  }
.Lfunc_end2:
_tile_overlayer_lowered:
.L_overlay_start_2:
0x50: {  	(tag) =	ssettag $0x2  }
0x51: {  	s0 =	rddreg [dreg:$0x0];
	s2 =	stileid.u32  }
0x52: {  	s1 =	rddreg [dreg:$0x1];
	p0 =	sne.s32 s2, $0x0  }
0x53: {  	s3 =	rddreg [dreg:$0x2];
	[bflag:$0x3] =	sbarrier.arrive $0xFFFF;
	s2 =	simm.s32 @!p0 $0x1C05  }
0x54: {  	[timem:s3], [sflag:s2] =	dma.local @!p0 [hbm:s0], s1  }
0x55: {  	s0 =	simm.s32 @!p0 $0x5  }
0x56: {  	_ =	swait.ge @!p0 [sflag:s0], s1  }
0x57: {  	s1 =	ssub.s32 @!p0 $0x0, s1;
	[sflag:s0] =	ssyncset.done @!p0 $0x0  }
0x58: {  	[sflag:s0] =	ssyncadd.s32 @!p0 s1  }
0x59: {  	[bflag:$0x3] =	sbarrier.arrive $0xFFFF  }
0x5a: {  	_ =	shalt  }

</sc_bundles>
